<compile_context>
chip_gen: v7x
topology: tpu7x:2x2x1
jax: 0.10.2.dev20260603
libtpu: 0.0.44.dev20260713+nightly
codegen_flags: <defaults>
</compile_context>

<pallas_src>
import functools

import jax
import jax.numpy as jnp
from jax import lax
from jax.experimental import pallas as pl
from jax.experimental.pallas import tpu as pltpu
from jax.experimental.pallas import tpu_sc as plsc

L = 16


def kernel(x, idx):
    B, Ch, C = x.shape
    K, G = idx.shape
    N = B * Ch
    X2 = x.reshape(N, C)

    info = plsc.get_sparse_core_info()
    NC, NS = info.num_cores, info.num_subcores
    NW = NC * NS
    rows_per_w = N // NW
    R = 128
    nchunk = rows_per_w // R
    ngroups = K // L
    scale = 1.0 / G

    mesh = plsc.VectorSubcoreMesh(core_axis_name="c", subcore_axis_name="s")

    @functools.partial(
        pl.kernel,
        mesh=mesh,
        compiler_params=pltpu.CompilerParams(needs_layout_passes=False),
        out_type=jax.ShapeDtypeStruct((N, K), jnp.float32),
        scratch_types=[
            pltpu.VMEM((R, C), jnp.float32),
            pltpu.VMEM((R, C), jnp.float32),
            pltpu.VMEM((R, K), jnp.float32),
            pltpu.VMEM((R, K), jnp.float32),
            pltpu.VMEM((K, G), jnp.int32),
            pltpu.SemaphoreType.DMA,
            pltpu.SemaphoreType.DMA,
            pltpu.SemaphoreType.DMA,
            pltpu.SemaphoreType.DMA,
        ],
    )
    def _unpool(x_hbm, idx_hbm, out_hbm, x_v0, x_v1, o_v0, o_v1, idx_v,
                si0, si1, so0, so1):
        xb, ob, si, so = [x_v0, x_v1], [o_v0, o_v1], [si0, si1], [so0, so1]
        wid = lax.axis_index("s") * NC + lax.axis_index("c")
        base = wid * rows_per_w
        pltpu.sync_copy(idx_hbm, idx_v)
        lanes = lax.iota(jnp.int32, L)
        cols = [[plsc.load_gather(idx_v,
                                  [lanes + g * L,
                                   jnp.full((L,), j, dtype=jnp.int32)])
                 for g in range(ngroups)] for j in range(G)]

        def in_copy(c, b):
            return pltpu.make_async_copy(
                x_hbm.at[pl.ds(base + c * R, R)], xb[b], si[b])

        def out_copy(c, b):
            return pltpu.make_async_copy(
                ob[b], out_hbm.at[pl.ds(base + c * R, R)], so[b])

        def compute(x_v, o_v):
            @plsc.parallel_loop(0, R, 1)
            def row_body(r):
                rvec = jnp.full((L,), r, dtype=jnp.int32)
                gath = [[plsc.load_gather(x_v, [rvec, cols[j][g]])
                         for g in range(ngroups)] for j in range(G)]
                for g in range(ngroups):
                    acc = gath[0][g]
                    for j in range(1, G):
                        acc = acc + gath[j][g]
                    o_v[r, pl.ds(g * L, L)] = acc * scale

        in_copy(0, 0).start()
        in_copy(1, 1).start()

        def super_body(sc, carry):
            for b in range(2):
                c = sc * 2 + b
                in_copy(c, b).wait()

                @pl.when(sc > 0)
                def _():
                    out_copy(c - 2, b).wait()

                compute(xb[b], ob[b])
                out_copy(c, b).start()

                @pl.when(c + 2 < nchunk)
                def _():
                    in_copy(c + 2, b).start()

            return carry

        lax.fori_loop(0, nchunk // 2, super_body, 0)
        out_copy(nchunk - 2, 0).wait()
        out_copy(nchunk - 1, 1).wait()

    out = _unpool(X2, idx)
    return out.reshape(B, Ch, K)

# --- scband reference (transcript-rebuilt; emitter-appended) ---
"""Pipeline reference for scband-indexed-unpool-56513179680882 (READ-ONLY COPY).

The authoritative reference and input builder live on the scoring server;
editing this copy changes nothing except your own understanding.
"""

import jax, jax.numpy as jnp
import numpy as np


def setup_inputs(seed: int = 0) -> dict:
    key = jax.random.key(seed)
    # x: feature map flattened over spatial dim M=256, with large batch*channel leading dims
    x = jax.random.normal(key, (32, 2048, 256), dtype=jnp.float32)
    # Derived position table, mirroring IndexedUnpool.__init__ for
    # indices = [[0,1,...,127,0,1,...,127]] (shape [1, 256]):
    # position_per_pixel[i] = columns where indices == i = [i, i+128]
    # -> self.indices has shape [128, 2], no padding needed (all groups size 2)
    base = jnp.arange(128, dtype=jnp.int32)
    idx = jnp.stack([base, base + 128], axis=1)  # [128, 2]
    return {"x": x, "idx": idx}


def reference(x, idx):
    # out = x[..., self.indices.long()]  -> [32, 2048, 128, 2]
    out = jnp.take(x, idx, axis=-1)
    # return out.mean(-1)                -> [32, 2048, 128]
    return out.mean(-1)

if __name__ == "__main__":
    import jax
    _d = setup_inputs()
    print(jax.jit(kernel)(*tuple(_d.values())))

</pallas_src>

<mosaic_0001>
#map = affine_map<(d0, d1) -> (0, 0)>
module attributes {stable_mosaic.version = 14 : i64} {
  func.func @_unpool(%arg0: i32, %arg1: i32, %arg2: memref<65536x256xf32, #tpu.memory_space<hbm>>, %arg3: memref<128x2xi32, #tpu.memory_space<hbm>>, %arg4: memref<65536x128xf32, #tpu.memory_space<hbm>>, %arg5: memref<128x256xf32, #tpu.memory_space<vmem>>, %arg6: memref<128x256xf32, #tpu.memory_space<vmem>>, %arg7: memref<128x128xf32, #tpu.memory_space<vmem>>, %arg8: memref<128x128xf32, #tpu.memory_space<vmem>>, %arg9: memref<128x2xi32, #tpu.memory_space<vmem>>, %arg10: memref<!tpu.dma_semaphore, #tpu.memory_space<semaphore_mem>>, %arg11: memref<!tpu.dma_semaphore, #tpu.memory_space<semaphore_mem>>, %arg12: memref<!tpu.dma_semaphore, #tpu.memory_space<semaphore_mem>>, %arg13: memref<!tpu.dma_semaphore, #tpu.memory_space<semaphore_mem>>) attributes {dimension_semantics = [#tpu.dimension_semantics<core_parallel>, #tpu.dimension_semantics<subcore_parallel>], iteration_bounds = array<i64: 2, 16>, scalar_prefetch = 0 : i64, scratch_operands = 9 : i64, tpu.core_type = #tpu.core_type<sc_vector_subcore>, window_params = [{transform_indices = #map}, {transform_indices = #map}, {transform_indices = #map}]} {
    %mul3A = arith.constant 2 : i32
    %mul3A_0 = arith.muli %arg1, %mul3A : i32
    %add3A = arith.addi %mul3A_0, %arg0 : i32
    %mul3A_1 = arith.constant 2048 : i32
    %mul3A_2 = arith.muli %add3A, %mul3A_1 : i32
    "tpu.region"() ({
      %run_scoped3A = tpu.sem_alloc : memref<!tpu.dma_semaphore, #tpu.memory_space<semaphore_mem>>
      tpu.enqueue_dma source(%arg3 : memref<128x2xi32, #tpu.memory_space<hbm>>) target(%arg9 : memref<128x2xi32, #tpu.memory_space<vmem>>) target_semaphore(%run_scoped3A : memref<!tpu.dma_semaphore, #tpu.memory_space<semaphore_mem>>)
      tpu.wait_dma2 semaphore(%run_scoped3A : memref<!tpu.dma_semaphore, #tpu.memory_space<semaphore_mem>>) src(%arg3 : memref<128x2xi32, #tpu.memory_space<hbm>>) dst(%arg9 : memref<128x2xi32, #tpu.memory_space<vmem>>)
      tpu.yield
    }) : () -> ()
    %iota3A = tpu.iota {dimensions = array<i32: 0>} : vector<16xi32>
    %add3A_3 = arith.constant 0 : i32
    %add3A_4 = vector.broadcast %add3A_3 : i32 to vector<16xi32>
    %add3A_5 = arith.addi %iota3A, %add3A_4 : vector<16xi32>
    %broadcast_in_dim3A = arith.constant 0 : i32
    %broadcast_in_dim3A_6 = vector.broadcast %broadcast_in_dim3A : i32 to vector<16xi32>
    %gather3A = tpu.vector_load_idx %arg9[%add3A_5, %broadcast_in_dim3A_6] : memref<128x2xi32, #tpu.memory_space<vmem>>[vector<16xi32>, vector<16xi32>], vector<16xi32>,
    %add3A_7 = arith.constant 16 : i32
    %add3A_8 = vector.broadcast %add3A_7 : i32 to vector<16xi32>
    %add3A_9 = arith.addi %iota3A, %add3A_8 : vector<16xi32>
    %broadcast_in_dim3A_10 = arith.constant 0 : i32
    %broadcast_in_dim3A_11 = vector.broadcast %broadcast_in_dim3A_10 : i32 to vector<16xi32>
    %gather3A_12 = tpu.vector_load_idx %arg9[%add3A_9, %broadcast_in_dim3A_11] : memref<128x2xi32, #tpu.memory_space<vmem>>[vector<16xi32>, vector<16xi32>], vector<16xi32>,
    %add3A_13 = arith.constant 32 : i32
    %add3A_14 = vector.broadcast %add3A_13 : i32 to vector<16xi32>
    %add3A_15 = arith.addi %iota3A, %add3A_14 : vector<16xi32>
    %broadcast_in_dim3A_16 = arith.constant 0 : i32
    %broadcast_in_dim3A_17 = vector.broadcast %broadcast_in_dim3A_16 : i32 to vector<16xi32>
    %gather3A_18 = tpu.vector_load_idx %arg9[%add3A_15, %broadcast_in_dim3A_17] : memref<128x2xi32, #tpu.memory_space<vmem>>[vector<16xi32>, vector<16xi32>], vector<16xi32>,
    %add3A_19 = arith.constant 48 : i32
    %add3A_20 = vector.broadcast %add3A_19 : i32 to vector<16xi32>
    %add3A_21 = arith.addi %iota3A, %add3A_20 : vector<16xi32>
    %broadcast_in_dim3A_22 = arith.constant 0 : i32
    %broadcast_in_dim3A_23 = vector.broadcast %broadcast_in_dim3A_22 : i32 to vector<16xi32>
    %gather3A_24 = tpu.vector_load_idx %arg9[%add3A_21, %broadcast_in_dim3A_23] : memref<128x2xi32, #tpu.memory_space<vmem>>[vector<16xi32>, vector<16xi32>], vector<16xi32>,
    %add3A_25 = arith.constant 64 : i32
    %add3A_26 = vector.broadcast %add3A_25 : i32 to vector<16xi32>
    %add3A_27 = arith.addi %iota3A, %add3A_26 : vector<16xi32>
    %broadcast_in_dim3A_28 = arith.constant 0 : i32
    %broadcast_in_dim3A_29 = vector.broadcast %broadcast_in_dim3A_28 : i32 to vector<16xi32>
    %gather3A_30 = tpu.vector_load_idx %arg9[%add3A_27, %broadcast_in_dim3A_29] : memref<128x2xi32, #tpu.memory_space<vmem>>[vector<16xi32>, vector<16xi32>], vector<16xi32>,
    %add3A_31 = arith.constant 80 : i32
    %add3A_32 = vector.broadcast %add3A_31 : i32 to vector<16xi32>
    %add3A_33 = arith.addi %iota3A, %add3A_32 : vector<16xi32>
    %broadcast_in_dim3A_34 = arith.constant 0 : i32
    %broadcast_in_dim3A_35 = vector.broadcast %broadcast_in_dim3A_34 : i32 to vector<16xi32>
    %gather3A_36 = tpu.vector_load_idx %arg9[%add3A_33, %broadcast_in_dim3A_35] : memref<128x2xi32, #tpu.memory_space<vmem>>[vector<16xi32>, vector<16xi32>], vector<16xi32>,
    %add3A_37 = arith.constant 96 : i32
    %add3A_38 = vector.broadcast %add3A_37 : i32 to vector<16xi32>
    %add3A_39 = arith.addi %iota3A, %add3A_38 : vector<16xi32>
    %broadcast_in_dim3A_40 = arith.constant 0 : i32
    %broadcast_in_dim3A_41 = vector.broadcast %broadcast_in_dim3A_40 : i32 to vector<16xi32>
    %gather3A_42 = tpu.vector_load_idx %arg9[%add3A_39, %broadcast_in_dim3A_41] : memref<128x2xi32, #tpu.memory_space<vmem>>[vector<16xi32>, vector<16xi32>], vector<16xi32>,
    %add3A_43 = arith.constant 112 : i32
    %add3A_44 = vector.broadcast %add3A_43 : i32 to vector<16xi32>
    %add3A_45 = arith.addi %iota3A, %add3A_44 : vector<16xi32>
    %broadcast_in_dim3A_46 = arith.constant 0 : i32
    %broadcast_in_dim3A_47 = vector.broadcast %broadcast_in_dim3A_46 : i32 to vector<16xi32>
    %gather3A_48 = tpu.vector_load_idx %arg9[%add3A_45, %broadcast_in_dim3A_47] : memref<128x2xi32, #tpu.memory_space<vmem>>[vector<16xi32>, vector<16xi32>], vector<16xi32>,
    %add3A_49 = arith.constant 0 : i32
    %add3A_50 = vector.broadcast %add3A_49 : i32 to vector<16xi32>
    %add3A_51 = arith.addi %iota3A, %add3A_50 : vector<16xi32>
    %broadcast_in_dim3A_52 = arith.constant 1 : i32
    %broadcast_in_dim3A_53 = vector.broadcast %broadcast_in_dim3A_52 : i32 to vector<16xi32>
    %gather3A_54 = tpu.vector_load_idx %arg9[%add3A_51, %broadcast_in_dim3A_53] : memref<128x2xi32, #tpu.memory_space<vmem>>[vector<16xi32>, vector<16xi32>], vector<16xi32>,
    %add3A_55 = arith.constant 16 : i32
    %add3A_56 = vector.broadcast %add3A_55 : i32 to vector<16xi32>
    %add3A_57 = arith.addi %iota3A, %add3A_56 : vector<16xi32>
    %broadcast_in_dim3A_58 = arith.constant 1 : i32
    %broadcast_in_dim3A_59 = vector.broadcast %broadcast_in_dim3A_58 : i32 to vector<16xi32>
    %gather3A_60 = tpu.vector_load_idx %arg9[%add3A_57, %broadcast_in_dim3A_59] : memref<128x2xi32, #tpu.memory_space<vmem>>[vector<16xi32>, vector<16xi32>], vector<16xi32>,
    %add3A_61 = arith.constant 32 : i32
    %add3A_62 = vector.broadcast %add3A_61 : i32 to vector<16xi32>
    %add3A_63 = arith.addi %iota3A, %add3A_62 : vector<16xi32>
    %broadcast_in_dim3A_64 = arith.constant 1 : i32
    %broadcast_in_dim3A_65 = vector.broadcast %broadcast_in_dim3A_64 : i32 to vector<16xi32>
    %gather3A_66 = tpu.vector_load_idx %arg9[%add3A_63, %broadcast_in_dim3A_65] : memref<128x2xi32, #tpu.memory_space<vmem>>[vector<16xi32>, vector<16xi32>], vector<16xi32>,
    %add3A_67 = arith.constant 48 : i32
    %add3A_68 = vector.broadcast %add3A_67 : i32 to vector<16xi32>
    %add3A_69 = arith.addi %iota3A, %add3A_68 : vector<16xi32>
    %broadcast_in_dim3A_70 = arith.constant 1 : i32
    %broadcast_in_dim3A_71 = vector.broadcast %broadcast_in_dim3A_70 : i32 to vector<16xi32>
    %gather3A_72 = tpu.vector_load_idx %arg9[%add3A_69, %broadcast_in_dim3A_71] : memref<128x2xi32, #tpu.memory_space<vmem>>[vector<16xi32>, vector<16xi32>], vector<16xi32>,
    %add3A_73 = arith.constant 64 : i32
    %add3A_74 = vector.broadcast %add3A_73 : i32 to vector<16xi32>
    %add3A_75 = arith.addi %iota3A, %add3A_74 : vector<16xi32>
    %broadcast_in_dim3A_76 = arith.constant 1 : i32
    %broadcast_in_dim3A_77 = vector.broadcast %broadcast_in_dim3A_76 : i32 to vector<16xi32>
    %gather3A_78 = tpu.vector_load_idx %arg9[%add3A_75, %broadcast_in_dim3A_77] : memref<128x2xi32, #tpu.memory_space<vmem>>[vector<16xi32>, vector<16xi32>], vector<16xi32>,
    %add3A_79 = arith.constant 80 : i32
    %add3A_80 = vector.broadcast %add3A_79 : i32 to vector<16xi32>
    %add3A_81 = arith.addi %iota3A, %add3A_80 : vector<16xi32>
    %broadcast_in_dim3A_82 = arith.constant 1 : i32
    %broadcast_in_dim3A_83 = vector.broadcast %broadcast_in_dim3A_82 : i32 to vector<16xi32>
    %gather3A_84 = tpu.vector_load_idx %arg9[%add3A_81, %broadcast_in_dim3A_83] : memref<128x2xi32, #tpu.memory_space<vmem>>[vector<16xi32>, vector<16xi32>], vector<16xi32>,
    %add3A_85 = arith.constant 96 : i32
    %add3A_86 = vector.broadcast %add3A_85 : i32 to vector<16xi32>
    %add3A_87 = arith.addi %iota3A, %add3A_86 : vector<16xi32>
    %broadcast_in_dim3A_88 = arith.constant 1 : i32
    %broadcast_in_dim3A_89 = vector.broadcast %broadcast_in_dim3A_88 : i32 to vector<16xi32>
    %gather3A_90 = tpu.vector_load_idx %arg9[%add3A_87, %broadcast_in_dim3A_89] : memref<128x2xi32, #tpu.memory_space<vmem>>[vector<16xi32>, vector<16xi32>], vector<16xi32>,
    %add3A_91 = arith.constant 112 : i32
    %add3A_92 = vector.broadcast %add3A_91 : i32 to vector<16xi32>
    %add3A_93 = arith.addi %iota3A, %add3A_92 : vector<16xi32>
    %broadcast_in_dim3A_94 = arith.constant 1 : i32
    %broadcast_in_dim3A_95 = vector.broadcast %broadcast_in_dim3A_94 : i32 to vector<16xi32>
    %gather3A_96 = tpu.vector_load_idx %arg9[%add3A_93, %broadcast_in_dim3A_95] : memref<128x2xi32, #tpu.memory_space<vmem>>[vector<16xi32>, vector<16xi32>], vector<16xi32>,
    %add3A_97 = arith.constant 0 : i32
    %add3A_98 = arith.addi %mul3A_2, %add3A_97 : i32
    %dma_start3A = arith.constant 0 : i32
    %dma_start3A_99 = tpu.memref_slice %arg2[%add3A_98, %dma_start3A] : memref<65536x256xf32, #tpu.memory_space<hbm>> -> memref<128x256xf32, #tpu.memory_space<hbm>>
    %dma_start3A_100 = arith.constant 0 : i32
    %dma_start3A_101 = tpu.memref_slice %arg2[%add3A_98, %dma_start3A_100] : memref<65536x256xf32, #tpu.memory_space<hbm>> -> memref<128x256xf32, #tpu.memory_space<hbm>>
    tpu.enqueue_dma source(%dma_start3A_101 : memref<128x256xf32, #tpu.memory_space<hbm>>) target(%arg5 : memref<128x256xf32, #tpu.memory_space<vmem>>) target_semaphore(%arg10 : memref<!tpu.dma_semaphore, #tpu.memory_space<semaphore_mem>>)
    %add3A_102 = arith.constant 128 : i32
    %add3A_103 = arith.addi %mul3A_2, %add3A_102 : i32
    %dma_start3A_104 = arith.constant 0 : i32
    %dma_start3A_105 = tpu.memref_slice %arg2[%add3A_103, %dma_start3A_104] : memref<65536x256xf32, #tpu.memory_space<hbm>> -> memref<128x256xf32, #tpu.memory_space<hbm>>
    %dma_start3A_106 = arith.constant 0 : i32
    %dma_start3A_107 = tpu.memref_slice %arg2[%add3A_103, %dma_start3A_106] : memref<65536x256xf32, #tpu.memory_space<hbm>> -> memref<128x256xf32, #tpu.memory_space<hbm>>
    tpu.enqueue_dma source(%dma_start3A_107 : memref<128x256xf32, #tpu.memory_space<hbm>>) target(%arg6 : memref<128x256xf32, #tpu.memory_space<vmem>>) target_semaphore(%arg11 : memref<!tpu.dma_semaphore, #tpu.memory_space<semaphore_mem>>)
    %scan3A = arith.constant 0 : i32
    %scan3A_108 = arith.constant 0 : i32
    %scan3A_109 = arith.constant 8 : i32
    %scan3A_110 = arith.addi %scan3A_108, %scan3A_109 : i32
    %scan3A_111 = arith.constant 1 : i32
    scf.for %scan3A_124 = %scan3A_108 to %scan3A_110 step %scan3A_111  : i32 {
      %mul3A_125 = arith.constant 2 : i32
      %mul3A_126 = arith.muli %scan3A_124, %mul3A_125 : i32
      %add3A_127 = arith.constant 0 : i32
      %add3A_128 = arith.addi %mul3A_126, %add3A_127 : i32
      %mul3A_129 = arith.constant 128 : i32
      %mul3A_130 = arith.muli %add3A_128, %mul3A_129 : i32
      %add3A_131 = arith.addi %mul3A_2, %mul3A_130 : i32
      %dma_wait3A_132 = arith.constant 0 : i32
      %dma_wait3A_133 = tpu.memref_slice %arg2[%add3A_131, %dma_wait3A_132] : memref<65536x256xf32, #tpu.memory_space<hbm>> -> memref<128x256xf32, #tpu.memory_space<hbm>>
      %dma_wait3A_134 = arith.constant 0 : i32
      %dma_wait3A_135 = tpu.memref_slice %arg2[%add3A_131, %dma_wait3A_134] : memref<65536x256xf32, #tpu.memory_space<hbm>> -> memref<128x256xf32, #tpu.memory_space<hbm>>
      tpu.wait_dma2 semaphore(%arg10 : memref<!tpu.dma_semaphore, #tpu.memory_space<semaphore_mem>>) src(%dma_wait3A_135 : memref<128x256xf32, #tpu.memory_space<hbm>>) dst(%arg5 : memref<128x256xf32, #tpu.memory_space<vmem>>)
      %gt3A = arith.constant 0 : i32
      %gt3A_136 = arith.cmpi sgt, %scan3A_124, %gt3A : i32
      %convert_element_type3A = arith.extui %gt3A_136 : i1 to i32
      %cond3A = arith.constant 0 : i32
      %cond3A_137 = arith.cmpi ne, %convert_element_type3A, %cond3A : i32
      scf.if %cond3A_137 {
        %sub3A = arith.constant 2 : i32
        %sub3A_186 = arith.subi %add3A_128, %sub3A : i32
        %mul3A_187 = arith.constant 128 : i32
        %mul3A_188 = arith.muli %sub3A_186, %mul3A_187 : i32
        %add3A_189 = arith.addi %mul3A_2, %mul3A_188 : i32
        %dma_wait3A_190 = arith.constant 0 : i32
        %dma_wait3A_191 = tpu.memref_slice %arg4[%add3A_189, %dma_wait3A_190] : memref<65536x128xf32, #tpu.memory_space<hbm>> -> memref<128x128xf32, #tpu.memory_space<hbm>>
        %dma_wait3A_192 = arith.constant 0 : i32
        %dma_wait3A_193 = tpu.memref_slice %arg4[%add3A_189, %dma_wait3A_192] : memref<65536x128xf32, #tpu.memory_space<hbm>> -> memref<128x128xf32, #tpu.memory_space<hbm>>
        tpu.wait_dma2 semaphore(%arg12 : memref<!tpu.dma_semaphore, #tpu.memory_space<semaphore_mem>>) src(%arg7 : memref<128x128xf32, #tpu.memory_space<vmem>>) dst(%dma_wait3A_193 : memref<128x128xf32, #tpu.memory_space<hbm>>)
      } else {
      }
      %parallel_loop3A = arith.constant 0 : i32
      %parallel_loop3A_138 = arith.constant 128 : i32
      %parallel_loop3A_139 = arith.constant 1 : i32
      scf.for %parallel_loop3A_186 = %parallel_loop3A to %parallel_loop3A_138 step %parallel_loop3A_139  : i32 {
        %parallel_loop3A_187 = vector.broadcast %parallel_loop3A_186 : i32 to vector<16xi32>
        %parallel_loop3A_188 = tpu.vector_load_idx %arg5[%parallel_loop3A_187, %gather3A] : memref<128x256xf32, #tpu.memory_space<vmem>>[vector<16xi32>, vector<16xi32>], vector<16xf32>,
        %parallel_loop3A_189 = tpu.vector_load_idx %arg5[%parallel_loop3A_187, %gather3A_12] : memref<128x256xf32, #tpu.memory_space<vmem>>[vector<16xi32>, vector<16xi32>], vector<16xf32>,
        %parallel_loop3A_190 = tpu.vector_load_idx %arg5[%parallel_loop3A_187, %gather3A_18] : memref<128x256xf32, #tpu.memory_space<vmem>>[vector<16xi32>, vector<16xi32>], vector<16xf32>,
        %parallel_loop3A_191 = tpu.vector_load_idx %arg5[%parallel_loop3A_187, %gather3A_24] : memref<128x256xf32, #tpu.memory_space<vmem>>[vector<16xi32>, vector<16xi32>], vector<16xf32>,
        %parallel_loop3A_192 = tpu.vector_load_idx %arg5[%parallel_loop3A_187, %gather3A_30] : memref<128x256xf32, #tpu.memory_space<vmem>>[vector<16xi32>, vector<16xi32>], vector<16xf32>,
        %parallel_loop3A_193 = tpu.vector_load_idx %arg5[%parallel_loop3A_187, %gather3A_36] : memref<128x256xf32, #tpu.memory_space<vmem>>[vector<16xi32>, vector<16xi32>], vector<16xf32>,
        %parallel_loop3A_194 = tpu.vector_load_idx %arg5[%parallel_loop3A_187, %gather3A_42] : memref<128x256xf32, #tpu.memory_space<vmem>>[vector<16xi32>, vector<16xi32>], vector<16xf32>,
        %parallel_loop3A_195 = tpu.vector_load_idx %arg5[%parallel_loop3A_187, %gather3A_48] : memref<128x256xf32, #tpu.memory_space<vmem>>[vector<16xi32>, vector<16xi32>], vector<16xf32>,
        %parallel_loop3A_196 = tpu.vector_load_idx %arg5[%parallel_loop3A_187, %gather3A_54] : memref<128x256xf32, #tpu.memory_space<vmem>>[vector<16xi32>, vector<16xi32>], vector<16xf32>,
        %parallel_loop3A_197 = tpu.vector_load_idx %arg5[%parallel_loop3A_187, %gather3A_60] : memref<128x256xf32, #tpu.memory_space<vmem>>[vector<16xi32>, vector<16xi32>], vector<16xf32>,
        %parallel_loop3A_198 = tpu.vector_load_idx %arg5[%parallel_loop3A_187, %gather3A_66] : memref<128x256xf32, #tpu.memory_space<vmem>>[vector<16xi32>, vector<16xi32>], vector<16xf32>,
        %parallel_loop3A_199 = tpu.vector_load_idx %arg5[%parallel_loop3A_187, %gather3A_72] : memref<128x256xf32, #tpu.memory_space<vmem>>[vector<16xi32>, vector<16xi32>], vector<16xf32>,
        %parallel_loop3A_200 = tpu.vector_load_idx %arg5[%parallel_loop3A_187, %gather3A_78] : memref<128x256xf32, #tpu.memory_space<vmem>>[vector<16xi32>, vector<16xi32>], vector<16xf32>,
        %parallel_loop3A_201 = tpu.vector_load_idx %arg5[%parallel_loop3A_187, %gather3A_84] : memref<128x256xf32, #tpu.memory_space<vmem>>[vector<16xi32>, vector<16xi32>], vector<16xf32>,
        %parallel_loop3A_202 = tpu.vector_load_idx %arg5[%parallel_loop3A_187, %gather3A_90] : memref<128x256xf32, #tpu.memory_space<vmem>>[vector<16xi32>, vector<16xi32>], vector<16xf32>,
        %parallel_loop3A_203 = tpu.vector_load_idx %arg5[%parallel_loop3A_187, %gather3A_96] : memref<128x256xf32, #tpu.memory_space<vmem>>[vector<16xi32>, vector<16xi32>], vector<16xf32>,
        %parallel_loop3A_204 = arith.addf %parallel_loop3A_188, %parallel_loop3A_196 : vector<16xf32>
        %parallel_loop3A_205 = arith.constant 5.000000e-01 : f32
        %parallel_loop3A_206 = vector.broadcast %parallel_loop3A_205 : f32 to vector<16xf32>
        %parallel_loop3A_207 = arith.mulf %parallel_loop3A_204, %parallel_loop3A_206 : vector<16xf32>
        %parallel_loop3A_208 = arith.index_cast %parallel_loop3A_186 : i32 to index
        %parallel_loop3A_209 = arith.constant 0 : index
        %parallel_loop3A_210 = tpu.vector_load %arg7[%parallel_loop3A_208, %parallel_loop3A_209] {strides = array<i32>} : memref<128x128xf32, #tpu.memory_space<vmem>>, vector<16xf32>,
        tpu.vector_store %arg7[%parallel_loop3A_208, %parallel_loop3A_209], %parallel_loop3A_207 {strides = array<i32>} : memref<128x128xf32, #tpu.memory_space<vmem>>, vector<16xf32>,
        %parallel_loop3A_211 = arith.addf %parallel_loop3A_189, %parallel_loop3A_197 : vector<16xf32>
        %parallel_loop3A_212 = arith.constant 5.000000e-01 : f32
        %parallel_loop3A_213 = vector.broadcast %parallel_loop3A_212 : f32 to vector<16xf32>
        %parallel_loop3A_214 = arith.mulf %parallel_loop3A_211, %parallel_loop3A_213 : vector<16xf32>
        %parallel_loop3A_215 = arith.index_cast %parallel_loop3A_186 : i32 to index
        %parallel_loop3A_216 = arith.constant 16 : index
        %parallel_loop3A_217 = tpu.vector_load %arg7[%parallel_loop3A_215, %parallel_loop3A_216] {strides = array<i32>} : memref<128x128xf32, #tpu.memory_space<vmem>>, vector<16xf32>,
        tpu.vector_store %arg7[%parallel_loop3A_215, %parallel_loop3A_216], %parallel_loop3A_214 {strides = array<i32>} : memref<128x128xf32, #tpu.memory_space<vmem>>, vector<16xf32>,
        %parallel_loop3A_218 = arith.addf %parallel_loop3A_190, %parallel_loop3A_198 : vector<16xf32>
        %parallel_loop3A_219 = arith.constant 5.000000e-01 : f32
        %parallel_loop3A_220 = vector.broadcast %parallel_loop3A_219 : f32 to vector<16xf32>
        %parallel_loop3A_221 = arith.mulf %parallel_loop3A_218, %parallel_loop3A_220 : vector<16xf32>
        %parallel_loop3A_222 = arith.index_cast %parallel_loop3A_186 : i32 to index
        %parallel_loop3A_223 = arith.constant 32 : index
        %parallel_loop3A_224 = tpu.vector_load %arg7[%parallel_loop3A_222, %parallel_loop3A_223] {strides = array<i32>} : memref<128x128xf32, #tpu.memory_space<vmem>>, vector<16xf32>,
        tpu.vector_store %arg7[%parallel_loop3A_222, %parallel_loop3A_223], %parallel_loop3A_221 {strides = array<i32>} : memref<128x128xf32, #tpu.memory_space<vmem>>, vector<16xf32>,
        %parallel_loop3A_225 = arith.addf %parallel_loop3A_191, %parallel_loop3A_199 : vector<16xf32>
        %parallel_loop3A_226 = arith.constant 5.000000e-01 : f32
        %parallel_loop3A_227 = vector.broadcast %parallel_loop3A_226 : f32 to vector<16xf32>
        %parallel_loop3A_228 = arith.mulf %parallel_loop3A_225, %parallel_loop3A_227 : vector<16xf32>
        %parallel_loop3A_229 = arith.index_cast %parallel_loop3A_186 : i32 to index
        %parallel_loop3A_230 = arith.constant 48 : index
        %parallel_loop3A_231 = tpu.vector_load %arg7[%parallel_loop3A_229, %parallel_loop3A_230] {strides = array<i32>} : memref<128x128xf32, #tpu.memory_space<vmem>>, vector<16xf32>,
        tpu.vector_store %arg7[%parallel_loop3A_229, %parallel_loop3A_230], %parallel_loop3A_228 {strides = array<i32>} : memref<128x128xf32, #tpu.memory_space<vmem>>, vector<16xf32>,
        %parallel_loop3A_232 = arith.addf %parallel_loop3A_192, %parallel_loop3A_200 : vector<16xf32>
        %parallel_loop3A_233 = arith.constant 5.000000e-01 : f32
        %parallel_loop3A_234 = vector.broadcast %parallel_loop3A_233 : f32 to vector<16xf32>
        %parallel_loop3A_235 = arith.mulf %parallel_loop3A_232, %parallel_loop3A_234 : vector<16xf32>
        %parallel_loop3A_236 = arith.index_cast %parallel_loop3A_186 : i32 to index
        %parallel_loop3A_237 = arith.constant 64 : index
        %parallel_loop3A_238 = tpu.vector_load %arg7[%parallel_loop3A_236, %parallel_loop3A_237] {strides = array<i32>} : memref<128x128xf32, #tpu.memory_space<vmem>>, vector<16xf32>,
        tpu.vector_store %arg7[%parallel_loop3A_236, %parallel_loop3A_237], %parallel_loop3A_235 {strides = array<i32>} : memref<128x128xf32, #tpu.memory_space<vmem>>, vector<16xf32>,
        %parallel_loop3A_239 = arith.addf %parallel_loop3A_193, %parallel_loop3A_201 : vector<16xf32>
        %parallel_loop3A_240 = arith.constant 5.000000e-01 : f32
        %parallel_loop3A_241 = vector.broadcast %parallel_loop3A_240 : f32 to vector<16xf32>
        %parallel_loop3A_242 = arith.mulf %parallel_loop3A_239, %parallel_loop3A_241 : vector<16xf32>
        %parallel_loop3A_243 = arith.index_cast %parallel_loop3A_186 : i32 to index
        %parallel_loop3A_244 = arith.constant 80 : index
        %parallel_loop3A_245 = tpu.vector_load %arg7[%parallel_loop3A_243, %parallel_loop3A_244] {strides = array<i32>} : memref<128x128xf32, #tpu.memory_space<vmem>>, vector<16xf32>,
        tpu.vector_store %arg7[%parallel_loop3A_243, %parallel_loop3A_244], %parallel_loop3A_242 {strides = array<i32>} : memref<128x128xf32, #tpu.memory_space<vmem>>, vector<16xf32>,
        %parallel_loop3A_246 = arith.addf %parallel_loop3A_194, %parallel_loop3A_202 : vector<16xf32>
        %parallel_loop3A_247 = arith.constant 5.000000e-01 : f32
        %parallel_loop3A_248 = vector.broadcast %parallel_loop3A_247 : f32 to vector<16xf32>
        %parallel_loop3A_249 = arith.mulf %parallel_loop3A_246, %parallel_loop3A_248 : vector<16xf32>
        %parallel_loop3A_250 = arith.index_cast %parallel_loop3A_186 : i32 to index
        %parallel_loop3A_251 = arith.constant 96 : index
        %parallel_loop3A_252 = tpu.vector_load %arg7[%parallel_loop3A_250, %parallel_loop3A_251] {strides = array<i32>} : memref<128x128xf32, #tpu.memory_space<vmem>>, vector<16xf32>,
        tpu.vector_store %arg7[%parallel_loop3A_250, %parallel_loop3A_251], %parallel_loop3A_249 {strides = array<i32>} : memref<128x128xf32, #tpu.memory_space<vmem>>, vector<16xf32>,
        %parallel_loop3A_253 = arith.addf %parallel_loop3A_195, %parallel_loop3A_203 : vector<16xf32>
        %parallel_loop3A_254 = arith.constant 5.000000e-01 : f32
        %parallel_loop3A_255 = vector.broadcast %parallel_loop3A_254 : f32 to vector<16xf32>
        %parallel_loop3A_256 = arith.mulf %parallel_loop3A_253, %parallel_loop3A_255 : vector<16xf32>
        %parallel_loop3A_257 = arith.index_cast %parallel_loop3A_186 : i32 to index
        %parallel_loop3A_258 = arith.constant 112 : index
        %parallel_loop3A_259 = tpu.vector_load %arg7[%parallel_loop3A_257, %parallel_loop3A_258] {strides = array<i32>} : memref<128x128xf32, #tpu.memory_space<vmem>>, vector<16xf32>,
        tpu.vector_store %arg7[%parallel_loop3A_257, %parallel_loop3A_258], %parallel_loop3A_256 {strides = array<i32>} : memref<128x128xf32, #tpu.memory_space<vmem>>, vector<16xf32>,
      } {sc.loop_unroll_factor = 1 : i64, sc.parallel_access}
      %mul3A_140 = arith.constant 128 : i32
      %mul3A_141 = arith.muli %add3A_128, %mul3A_140 : i32
      %add3A_142 = arith.addi %mul3A_2, %mul3A_141 : i32
      %dma_start3A_143 = arith.constant 0 : i32
      %dma_start3A_144 = tpu.memref_slice %arg4[%add3A_142, %dma_start3A_143] : memref<65536x128xf32, #tpu.memory_space<hbm>> -> memref<128x128xf32, #tpu.memory_space<hbm>>
      %dma_start3A_145 = arith.constant 0 : i32
      %dma_start3A_146 = tpu.memref_slice %arg4[%add3A_142, %dma_start3A_145] : memref<65536x128xf32, #tpu.memory_space<hbm>> -> memref<128x128xf32, #tpu.memory_space<hbm>>
      tpu.enqueue_dma source(%arg7 : memref<128x128xf32, #tpu.memory_space<vmem>>) target(%dma_start3A_146 : memref<128x128xf32, #tpu.memory_space<hbm>>) target_semaphore(%arg12 : memref<!tpu.dma_semaphore, #tpu.memory_space<semaphore_mem>>)
      %add3A_147 = arith.constant 2 : i32
      %add3A_148 = arith.addi %add3A_128, %add3A_147 : i32
      %lt3A = arith.constant 16 : i32
      %lt3A_149 = arith.cmpi slt, %add3A_148, %lt3A : i32
      %convert_element_type3A_150 = arith.extui %lt3A_149 : i1 to i32
      %cond3A_151 = arith.constant 0 : i32
      %cond3A_152 = arith.cmpi ne, %convert_element_type3A_150, %cond3A_151 : i32
      scf.if %cond3A_152 {
        %add3A_186 = arith.constant 2 : i32
        %add3A_187 = arith.addi %add3A_128, %add3A_186 : i32
        %mul3A_188 = arith.constant 128 : i32
        %mul3A_189 = arith.muli %add3A_187, %mul3A_188 : i32
        %add3A_190 = arith.addi %mul3A_2, %mul3A_189 : i32
        %dma_start3A_191 = arith.constant 0 : i32
        %dma_start3A_192 = tpu.memref_slice %arg2[%add3A_190, %dma_start3A_191] : memref<65536x256xf32, #tpu.memory_space<hbm>> -> memref<128x256xf32, #tpu.memory_space<hbm>>
        %dma_start3A_193 = arith.constant 0 : i32
        %dma_start3A_194 = tpu.memref_slice %arg2[%add3A_190, %dma_start3A_193] : memref<65536x256xf32, #tpu.memory_space<hbm>> -> memref<128x256xf32, #tpu.memory_space<hbm>>
        tpu.enqueue_dma source(%dma_start3A_194 : memref<128x256xf32, #tpu.memory_space<hbm>>) target(%arg5 : memref<128x256xf32, #tpu.memory_space<vmem>>) target_semaphore(%arg10 : memref<!tpu.dma_semaphore, #tpu.memory_space<semaphore_mem>>)
      } else {
      }
      %mul3A_153 = arith.constant 2 : i32
      %mul3A_154 = arith.muli %scan3A_124, %mul3A_153 : i32
      %add3A_155 = arith.constant 1 : i32
      %add3A_156 = arith.addi %mul3A_154, %add3A_155 : i32
      %mul3A_157 = arith.constant 128 : i32
      %mul3A_158 = arith.muli %add3A_156, %mul3A_157 : i32
      %add3A_159 = arith.addi %mul3A_2, %mul3A_158 : i32
      %dma_wait3A_160 = arith.constant 0 : i32
      %dma_wait3A_161 = tpu.memref_slice %arg2[%add3A_159, %dma_wait3A_160] : memref<65536x256xf32, #tpu.memory_space<hbm>> -> memref<128x256xf32, #tpu.memory_space<hbm>>
      %dma_wait3A_162 = arith.constant 0 : i32
      %dma_wait3A_163 = tpu.memref_slice %arg2[%add3A_159, %dma_wait3A_162] : memref<65536x256xf32, #tpu.memory_space<hbm>> -> memref<128x256xf32, #tpu.memory_space<hbm>>
      tpu.wait_dma2 semaphore(%arg11 : memref<!tpu.dma_semaphore, #tpu.memory_space<semaphore_mem>>) src(%dma_wait3A_163 : memref<128x256xf32, #tpu.memory_space<hbm>>) dst(%arg6 : memref<128x256xf32, #tpu.memory_space<vmem>>)
      %gt3A_164 = arith.constant 0 : i32
      %gt3A_165 = arith.cmpi sgt, %scan3A_124, %gt3A_164 : i32
      %convert_element_type3A_166 = arith.extui %gt3A_165 : i1 to i32
      %cond3A_167 = arith.constant 0 : i32
      %cond3A_168 = arith.cmpi ne, %convert_element_type3A_166, %cond3A_167 : i32
      scf.if %cond3A_168 {
        %sub3A = arith.constant 2 : i32
        %sub3A_186 = arith.subi %add3A_156, %sub3A : i32
        %mul3A_187 = arith.constant 128 : i32
        %mul3A_188 = arith.muli %sub3A_186, %mul3A_187 : i32
        %add3A_189 = arith.addi %mul3A_2, %mul3A_188 : i32
        %dma_wait3A_190 = arith.constant 0 : i32
        %dma_wait3A_191 = tpu.memref_slice %arg4[%add3A_189, %dma_wait3A_190] : memref<65536x128xf32, #tpu.memory_space<hbm>> -> memref<128x128xf32, #tpu.memory_space<hbm>>
        %dma_wait3A_192 = arith.constant 0 : i32
        %dma_wait3A_193 = tpu.memref_slice %arg4[%add3A_189, %dma_wait3A_192] : memref<65536x128xf32, #tpu.memory_space<hbm>> -> memref<128x128xf32, #tpu.memory_space<hbm>>
        tpu.wait_dma2 semaphore(%arg13 : memref<!tpu.dma_semaphore, #tpu.memory_space<semaphore_mem>>) src(%arg8 : memref<128x128xf32, #tpu.memory_space<vmem>>) dst(%dma_wait3A_193 : memref<128x128xf32, #tpu.memory_space<hbm>>)
      } else {
      }
      %parallel_loop3A_169 = arith.constant 0 : i32
      %parallel_loop3A_170 = arith.constant 128 : i32
      %parallel_loop3A_171 = arith.constant 1 : i32
      scf.for %parallel_loop3A_186 = %parallel_loop3A_169 to %parallel_loop3A_170 step %parallel_loop3A_171  : i32 {
        %parallel_loop3A_187 = vector.broadcast %parallel_loop3A_186 : i32 to vector<16xi32>
        %parallel_loop3A_188 = tpu.vector_load_idx %arg6[%parallel_loop3A_187, %gather3A] : memref<128x256xf32, #tpu.memory_space<vmem>>[vector<16xi32>, vector<16xi32>], vector<16xf32>,
        %parallel_loop3A_189 = tpu.vector_load_idx %arg6[%parallel_loop3A_187, %gather3A_12] : memref<128x256xf32, #tpu.memory_space<vmem>>[vector<16xi32>, vector<16xi32>], vector<16xf32>,
        %parallel_loop3A_190 = tpu.vector_load_idx %arg6[%parallel_loop3A_187, %gather3A_18] : memref<128x256xf32, #tpu.memory_space<vmem>>[vector<16xi32>, vector<16xi32>], vector<16xf32>,
        %parallel_loop3A_191 = tpu.vector_load_idx %arg6[%parallel_loop3A_187, %gather3A_24] : memref<128x256xf32, #tpu.memory_space<vmem>>[vector<16xi32>, vector<16xi32>], vector<16xf32>,
        %parallel_loop3A_192 = tpu.vector_load_idx %arg6[%parallel_loop3A_187, %gather3A_30] : memref<128x256xf32, #tpu.memory_space<vmem>>[vector<16xi32>, vector<16xi32>], vector<16xf32>,
        %parallel_loop3A_193 = tpu.vector_load_idx %arg6[%parallel_loop3A_187, %gather3A_36] : memref<128x256xf32, #tpu.memory_space<vmem>>[vector<16xi32>, vector<16xi32>], vector<16xf32>,
        %parallel_loop3A_194 = tpu.vector_load_idx %arg6[%parallel_loop3A_187, %gather3A_42] : memref<128x256xf32, #tpu.memory_space<vmem>>[vector<16xi32>, vector<16xi32>], vector<16xf32>,
        %parallel_loop3A_195 = tpu.vector_load_idx %arg6[%parallel_loop3A_187, %gather3A_48] : memref<128x256xf32, #tpu.memory_space<vmem>>[vector<16xi32>, vector<16xi32>], vector<16xf32>,
        %parallel_loop3A_196 = tpu.vector_load_idx %arg6[%parallel_loop3A_187, %gather3A_54] : memref<128x256xf32, #tpu.memory_space<vmem>>[vector<16xi32>, vector<16xi32>], vector<16xf32>,
        %parallel_loop3A_197 = tpu.vector_load_idx %arg6[%parallel_loop3A_187, %gather3A_60] : memref<128x256xf32, #tpu.memory_space<vmem>>[vector<16xi32>, vector<16xi32>], vector<16xf32>,
        %parallel_loop3A_198 = tpu.vector_load_idx %arg6[%parallel_loop3A_187, %gather3A_66] : memref<128x256xf32, #tpu.memory_space<vmem>>[vector<16xi32>, vector<16xi32>], vector<16xf32>,
        %parallel_loop3A_199 = tpu.vector_load_idx %arg6[%parallel_loop3A_187, %gather3A_72] : memref<128x256xf32, #tpu.memory_space<vmem>>[vector<16xi32>, vector<16xi32>], vector<16xf32>,
        %parallel_loop3A_200 = tpu.vector_load_idx %arg6[%parallel_loop3A_187, %gather3A_78] : memref<128x256xf32, #tpu.memory_space<vmem>>[vector<16xi32>, vector<16xi32>], vector<16xf32>,
        %parallel_loop3A_201 = tpu.vector_load_idx %arg6[%parallel_loop3A_187, %gather3A_84] : memref<128x256xf32, #tpu.memory_space<vmem>>[vector<16xi32>, vector<16xi32>], vector<16xf32>,
        %parallel_loop3A_202 = tpu.vector_load_idx %arg6[%parallel_loop3A_187, %gather3A_90] : memref<128x256xf32, #tpu.memory_space<vmem>>[vector<16xi32>, vector<16xi32>], vector<16xf32>,
        %parallel_loop3A_203 = tpu.vector_load_idx %arg6[%parallel_loop3A_187, %gather3A_96] : memref<128x256xf32, #tpu.memory_space<vmem>>[vector<16xi32>, vector<16xi32>], vector<16xf32>,
        %parallel_loop3A_204 = arith.addf %parallel_loop3A_188, %parallel_loop3A_196 : vector<16xf32>
        %parallel_loop3A_205 = arith.constant 5.000000e-01 : f32
        %parallel_loop3A_206 = vector.broadcast %parallel_loop3A_205 : f32 to vector<16xf32>
        %parallel_loop3A_207 = arith.mulf %parallel_loop3A_204, %parallel_loop3A_206 : vector<16xf32>
        %parallel_loop3A_208 = arith.index_cast %parallel_loop3A_186 : i32 to index
        %parallel_loop3A_209 = arith.constant 0 : index
        %parallel_loop3A_210 = tpu.vector_load %arg8[%parallel_loop3A_208, %parallel_loop3A_209] {strides = array<i32>} : memref<128x128xf32, #tpu.memory_space<vmem>>, vector<16xf32>,
        tpu.vector_store %arg8[%parallel_loop3A_208, %parallel_loop3A_209], %parallel_loop3A_207 {strides = array<i32>} : memref<128x128xf32, #tpu.memory_space<vmem>>, vector<16xf32>,
        %parallel_loop3A_211 = arith.addf %parallel_loop3A_189, %parallel_loop3A_197 : vector<16xf32>
        %parallel_loop3A_212 = arith.constant 5.000000e-01 : f32
        %parallel_loop3A_213 = vector.broadcast %parallel_loop3A_212 : f32 to vector<16xf32>
        %parallel_loop3A_214 = arith.mulf %parallel_loop3A_211, %parallel_loop3A_213 : vector<16xf32>
        %parallel_loop3A_215 = arith.index_cast %parallel_loop3A_186 : i32 to index
        %parallel_loop3A_216 = arith.constant 16 : index
        %parallel_loop3A_217 = tpu.vector_load %arg8[%parallel_loop3A_215, %parallel_loop3A_216] {strides = array<i32>} : memref<128x128xf32, #tpu.memory_space<vmem>>, vector<16xf32>,
        tpu.vector_store %arg8[%parallel_loop3A_215, %parallel_loop3A_216], %parallel_loop3A_214 {strides = array<i32>} : memref<128x128xf32, #tpu.memory_space<vmem>>, vector<16xf32>,
        %parallel_loop3A_218 = arith.addf %parallel_loop3A_190, %parallel_loop3A_198 : vector<16xf32>
        %parallel_loop3A_219 = arith.constant 5.000000e-01 : f32
        %parallel_loop3A_220 = vector.broadcast %parallel_loop3A_219 : f32 to vector<16xf32>
        %parallel_loop3A_221 = arith.mulf %parallel_loop3A_218, %parallel_loop3A_220 : vector<16xf32>
        %parallel_loop3A_222 = arith.index_cast %parallel_loop3A_186 : i32 to index
        %parallel_loop3A_223 = arith.constant 32 : index
        %parallel_loop3A_224 = tpu.vector_load %arg8[%parallel_loop3A_222, %parallel_loop3A_223] {strides = array<i32>} : memref<128x128xf32, #tpu.memory_space<vmem>>, vector<16xf32>,
        tpu.vector_store %arg8[%parallel_loop3A_222, %parallel_loop3A_223], %parallel_loop3A_221 {strides = array<i32>} : memref<128x128xf32, #tpu.memory_space<vmem>>, vector<16xf32>,
        %parallel_loop3A_225 = arith.addf %parallel_loop3A_191, %parallel_loop3A_199 : vector<16xf32>
        %parallel_loop3A_226 = arith.constant 5.000000e-01 : f32
        %parallel_loop3A_227 = vector.broadcast %parallel_loop3A_226 : f32 to vector<16xf32>
        %parallel_loop3A_228 = arith.mulf %parallel_loop3A_225, %parallel_loop3A_227 : vector<16xf32>
        %parallel_loop3A_229 = arith.index_cast %parallel_loop3A_186 : i32 to index
        %parallel_loop3A_230 = arith.constant 48 : index
        %parallel_loop3A_231 = tpu.vector_load %arg8[%parallel_loop3A_229, %parallel_loop3A_230] {strides = array<i32>} : memref<128x128xf32, #tpu.memory_space<vmem>>, vector<16xf32>,
        tpu.vector_store %arg8[%parallel_loop3A_229, %parallel_loop3A_230], %parallel_loop3A_228 {strides = array<i32>} : memref<128x128xf32, #tpu.memory_space<vmem>>, vector<16xf32>,
        %parallel_loop3A_232 = arith.addf %parallel_loop3A_192, %parallel_loop3A_200 : vector<16xf32>
        %parallel_loop3A_233 = arith.constant 5.000000e-01 : f32
        %parallel_loop3A_234 = vector.broadcast %parallel_loop3A_233 : f32 to vector<16xf32>
        %parallel_loop3A_235 = arith.mulf %parallel_loop3A_232, %parallel_loop3A_234 : vector<16xf32>
        %parallel_loop3A_236 = arith.index_cast %parallel_loop3A_186 : i32 to index
        %parallel_loop3A_237 = arith.constant 64 : index
        %parallel_loop3A_238 = tpu.vector_load %arg8[%parallel_loop3A_236, %parallel_loop3A_237] {strides = array<i32>} : memref<128x128xf32, #tpu.memory_space<vmem>>, vector<16xf32>,
        tpu.vector_store %arg8[%parallel_loop3A_236, %parallel_loop3A_237], %parallel_loop3A_235 {strides = array<i32>} : memref<128x128xf32, #tpu.memory_space<vmem>>, vector<16xf32>,
        %parallel_loop3A_239 = arith.addf %parallel_loop3A_193, %parallel_loop3A_201 : vector<16xf32>
        %parallel_loop3A_240 = arith.constant 5.000000e-01 : f32
        %parallel_loop3A_241 = vector.broadcast %parallel_loop3A_240 : f32 to vector<16xf32>
        %parallel_loop3A_242 = arith.mulf %parallel_loop3A_239, %parallel_loop3A_241 : vector<16xf32>
        %parallel_loop3A_243 = arith.index_cast %parallel_loop3A_186 : i32 to index
        %parallel_loop3A_244 = arith.constant 80 : index
        %parallel_loop3A_245 = tpu.vector_load %arg8[%parallel_loop3A_243, %parallel_loop3A_244] {strides = array<i32>} : memref<128x128xf32, #tpu.memory_space<vmem>>, vector<16xf32>,
        tpu.vector_store %arg8[%parallel_loop3A_243, %parallel_loop3A_244], %parallel_loop3A_242 {strides = array<i32>} : memref<128x128xf32, #tpu.memory_space<vmem>>, vector<16xf32>,
        %parallel_loop3A_246 = arith.addf %parallel_loop3A_194, %parallel_loop3A_202 : vector<16xf32>
        %parallel_loop3A_247 = arith.constant 5.000000e-01 : f32
        %parallel_loop3A_248 = vector.broadcast %parallel_loop3A_247 : f32 to vector<16xf32>
        %parallel_loop3A_249 = arith.mulf %parallel_loop3A_246, %parallel_loop3A_248 : vector<16xf32>
        %parallel_loop3A_250 = arith.index_cast %parallel_loop3A_186 : i32 to index
        %parallel_loop3A_251 = arith.constant 96 : index
        %parallel_loop3A_252 = tpu.vector_load %arg8[%parallel_loop3A_250, %parallel_loop3A_251] {strides = array<i32>} : memref<128x128xf32, #tpu.memory_space<vmem>>, vector<16xf32>,
        tpu.vector_store %arg8[%parallel_loop3A_250, %parallel_loop3A_251], %parallel_loop3A_249 {strides = array<i32>} : memref<128x128xf32, #tpu.memory_space<vmem>>, vector<16xf32>,
        %parallel_loop3A_253 = arith.addf %parallel_loop3A_195, %parallel_loop3A_203 : vector<16xf32>
        %parallel_loop3A_254 = arith.constant 5.000000e-01 : f32
        %parallel_loop3A_255 = vector.broadcast %parallel_loop3A_254 : f32 to vector<16xf32>
        %parallel_loop3A_256 = arith.mulf %parallel_loop3A_253, %parallel_loop3A_255 : vector<16xf32>
        %parallel_loop3A_257 = arith.index_cast %parallel_loop3A_186 : i32 to index
        %parallel_loop3A_258 = arith.constant 112 : index
        %parallel_loop3A_259 = tpu.vector_load %arg8[%parallel_loop3A_257, %parallel_loop3A_258] {strides = array<i32>} : memref<128x128xf32, #tpu.memory_space<vmem>>, vector<16xf32>,
        tpu.vector_store %arg8[%parallel_loop3A_257, %parallel_loop3A_258], %parallel_loop3A_256 {strides = array<i32>} : memref<128x128xf32, #tpu.memory_space<vmem>>, vector<16xf32>,
      } {sc.loop_unroll_factor = 1 : i64, sc.parallel_access}
      %mul3A_172 = arith.constant 128 : i32
      %mul3A_173 = arith.muli %add3A_156, %mul3A_172 : i32
      %add3A_174 = arith.addi %mul3A_2, %mul3A_173 : i32
      %dma_start3A_175 = arith.constant 0 : i32
      %dma_start3A_176 = tpu.memref_slice %arg4[%add3A_174, %dma_start3A_175] : memref<65536x128xf32, #tpu.memory_space<hbm>> -> memref<128x128xf32, #tpu.memory_space<hbm>>
      %dma_start3A_177 = arith.constant 0 : i32
      %dma_start3A_178 = tpu.memref_slice %arg4[%add3A_174, %dma_start3A_177] : memref<65536x128xf32, #tpu.memory_space<hbm>> -> memref<128x128xf32, #tpu.memory_space<hbm>>
      tpu.enqueue_dma source(%arg8 : memref<128x128xf32, #tpu.memory_space<vmem>>) target(%dma_start3A_178 : memref<128x128xf32, #tpu.memory_space<hbm>>) target_semaphore(%arg13 : memref<!tpu.dma_semaphore, #tpu.memory_space<semaphore_mem>>)
      %add3A_179 = arith.constant 2 : i32
      %add3A_180 = arith.addi %add3A_156, %add3A_179 : i32
      %lt3A_181 = arith.constant 16 : i32
      %lt3A_182 = arith.cmpi slt, %add3A_180, %lt3A_181 : i32
      %convert_element_type3A_183 = arith.extui %lt3A_182 : i1 to i32
      %cond3A_184 = arith.constant 0 : i32
      %cond3A_185 = arith.cmpi ne, %convert_element_type3A_183, %cond3A_184 : i32
      scf.if %cond3A_185 {
        %add3A_186 = arith.constant 2 : i32
        %add3A_187 = arith.addi %add3A_156, %add3A_186 : i32
        %mul3A_188 = arith.constant 128 : i32
        %mul3A_189 = arith.muli %add3A_187, %mul3A_188 : i32
        %add3A_190 = arith.addi %mul3A_2, %mul3A_189 : i32
        %dma_start3A_191 = arith.constant 0 : i32
        %dma_start3A_192 = tpu.memref_slice %arg2[%add3A_190, %dma_start3A_191] : memref<65536x256xf32, #tpu.memory_space<hbm>> -> memref<128x256xf32, #tpu.memory_space<hbm>>
        %dma_start3A_193 = arith.constant 0 : i32
        %dma_start3A_194 = tpu.memref_slice %arg2[%add3A_190, %dma_start3A_193] : memref<65536x256xf32, #tpu.memory_space<hbm>> -> memref<128x256xf32, #tpu.memory_space<hbm>>
        tpu.enqueue_dma source(%dma_start3A_194 : memref<128x256xf32, #tpu.memory_space<hbm>>) target(%arg6 : memref<128x256xf32, #tpu.memory_space<vmem>>) target_semaphore(%arg11 : memref<!tpu.dma_semaphore, #tpu.memory_space<semaphore_mem>>)
      } else {
      }
    }
    %scan3A_112 = arith.constant 8 : i32
    %add3A_113 = arith.constant 1792 : i32
    %add3A_114 = arith.addi %mul3A_2, %add3A_113 : i32
    %dma_wait3A = arith.constant 0 : i32
    %dma_wait3A_115 = tpu.memref_slice %arg4[%add3A_114, %dma_wait3A] : memref<65536x128xf32, #tpu.memory_space<hbm>> -> memref<128x128xf32, #tpu.memory_space<hbm>>
    %dma_wait3A_116 = arith.constant 0 : i32
    %dma_wait3A_117 = tpu.memref_slice %arg4[%add3A_114, %dma_wait3A_116] : memref<65536x128xf32, #tpu.memory_space<hbm>> -> memref<128x128xf32, #tpu.memory_space<hbm>>
    tpu.wait_dma2 semaphore(%arg12 : memref<!tpu.dma_semaphore, #tpu.memory_space<semaphore_mem>>) src(%arg7 : memref<128x128xf32, #tpu.memory_space<vmem>>) dst(%dma_wait3A_117 : memref<128x128xf32, #tpu.memory_space<hbm>>)
    %add3A_118 = arith.constant 1920 : i32
    %add3A_119 = arith.addi %mul3A_2, %add3A_118 : i32
    %dma_wait3A_120 = arith.constant 0 : i32
    %dma_wait3A_121 = tpu.memref_slice %arg4[%add3A_119, %dma_wait3A_120] : memref<65536x128xf32, #tpu.memory_space<hbm>> -> memref<128x128xf32, #tpu.memory_space<hbm>>
    %dma_wait3A_122 = arith.constant 0 : i32
    %dma_wait3A_123 = tpu.memref_slice %arg4[%add3A_119, %dma_wait3A_122] : memref<65536x128xf32, #tpu.memory_space<hbm>> -> memref<128x128xf32, #tpu.memory_space<hbm>>
    tpu.wait_dma2 semaphore(%arg13 : memref<!tpu.dma_semaphore, #tpu.memory_space<semaphore_mem>>) src(%arg8 : memref<128x128xf32, #tpu.memory_space<vmem>>) dst(%dma_wait3A_123 : memref<128x128xf32, #tpu.memory_space<hbm>>)
    return
  }
}

</mosaic_0001>

<sc_bundles>
// kernel: kernel.3.cloned.1.call-start
scs
__scs_entry_jumppad:
0x0: {  	(pc) =	sbr.rel $0x88, $3  }
0x1: {  	(tag) =	ssettag $0x0;
	lr =	simm.s32 $0x1  }
0x2: {  	[smem:$0x3F9F] =	sst lr;
	_ =	strace $0xD0000000  }
0x3: {  	_ = 	snop  }
0x4: {  	_ = 	snop  }
0x5: {  	_ = 	snop  }
0x6: {  	_ = 	snop  }
0x7: {  	_ = 	snop  }
__scs_overlays_trampoline_lowered:
0x8: {  	[smem:$0x3FAE] =	sst s0  }
0x9: {  	[smem:$0x3FAF] =	sst s1  }
0xa: {  	[smem:$0x3FB0] =	sst s2  }
0xb: {  	[smem:$0x3FB1] =	sst s3  }
0xc: {  	[smem:$0x3FB2] =	sst s4  }
0xd: {  	[smem:$0x3FB3] =	sst s5  }
0xe: {  	[smem:$0x3FB4] =	sst s6  }
0xf: {  	[smem:$0x3FB5] =	sst s7  }
0x10: {  	[smem:$0x3FB6] =	sst s8  }
0x11: {  	[smem:$0x3FB7] =	sst s9;
	s0 =	simm.s32 @!p0 $0x0  }
0x12: {  	s1 =	sld [smem:$0x3F9D];
	s0 =	simm.s32 @p0 $0x1  }
0x13: {  	[smem:$0x3FB8] =	sst s0;
	s0 =	simm.s32 @!p1 $0x0  }
0x14: {  	s2 =	sld [smem:$0x3F9C];
	s0 =	simm.s32 @p1 $0x1  }
0x15: {  	[smem:$0x3FB9] =	sst s0;
	s0 =	simm.s32 @!p2 $0x0  }
0x16: {  	s3 =	sld [smem:$0x3FDB];
	s0 =	simm.s32 @p2 $0x1  }
0x17: {  	s4 =	simm.s32 $0x1BF5;
	[smem:$0x3FBB] =	sst s0  }
0x18: {  	s0 =	sld [smem:$0x3F9E];
	_ =	swait.ge [sflag:s4], $0x0  }
0x19: {  	s7 =	sld [smem:$0x3F9F]  }
0x1a: {  	s8 =	sadd.s32 $0xFFFFE003, lr  }
0x1b: {  	s9 =	sadd.s32 $0xFFFFFEF7, lr;
	s5 =	simm.s32 $0xFFFFFFFF;
	p2 =	slt.u32 s8, $0xFFFFF086  }
0x1c: {  	p1 =	slt.u32 s9, $0xF7A;
	s5 =	simm.s32 @!p2 $0x0  }
0x1d: {  	s5 =	simm.s32 @p1 $0x1;
	p0 =	seq.s32 s7, s2  }
0x1e: {  	s7 =	smul.u32 @!p0 $0xF7A, s2;
	p2 =	seq.s32 @!p0 s5, $0x0  }
0x1f: {  	s9 =	smul.u32 $0xF7A, s1;
	s8 =	simm.s32 @!p0 $0x1BF5;
	p2 =	por !p2, p0  }
0x20: {  	[sflag:s8] =	ssyncset.s32 @!p0 $0xFFFFF086;
	s6 =	sadd.s32 @!p0 s3, s7;
	s7 =	simm.s32 @!p0 $0x108  }
0x21: {  	s3 =	sadd.s32 s3, s9;
	s6 =	sadd.s32 @!p0 $0x88, s6;
	s7 =	simm.s32 @p2 $0x1082  }
0x22: {  	[simem:s7], [sflag:s8] =	dma.local @!p0 [hbm:s6], $0xF7A  }
0x23: {  	s9 =	sor.u32 $0xD0000000, s2;
	s6 =	simm.s32 $0x108;
	_ =	swait.ge @!p0 [sflag:s8], $0x0  }
0x24: {  	s3 =	sadd.s32 $0x88, s3;
	s6 =	simm.s32 @!p1 $0x1082;
	[sflag:s4] =	ssyncset.s32 $0xFFFFF086  }
0x25: {  	[simem:s6], [sflag:s4] =	dma.local [hbm:s3], $0xF7A  }
0x26: {  	[smem:$0x3F9F] =	sst s1;
	(tag) =	ssettag s2;
	_ =	strace s9  }
0x27: {  	s1 =	sld [smem:$0x3FAF]  }
0x28: {  	s2 =	sld [smem:$0x3FB0]  }
0x29: {  	s4 =	sld [smem:$0x3FB2]  }
0x2a: {  	p0 =	seq.s32 s5, $0x0;
	s5 =	sld [smem:$0x3FB3]  }
0x2b: {  	s6 =	sld [smem:$0x3FB4]  }
0x2c: {  	s7 =	sld [smem:$0x3FB5]  }
0x2d: {  	s3 =	simm.s32 $0x108;
	s8 =	sld [smem:$0x3FB6]  }
0x2e: {  	s3 =	simm.s32 @!p0 $0x1082;
	s9 =	sld [smem:$0x3FB7]  }
0x2f: {  	lr =	sadd.s32 s0, s3;
	s0 =	sld [smem:$0x3FAE]  }
0x30: {  	s3 =	sld [smem:$0x3FB1]  }
0x31: {  	[smem:$0x3FBA] =	sst s10  }
0x32: {  	s10 =	sld [smem:$0x3FB8];
	_ =	sdelay $0x3  }
0x33: {  	p0 =	seq.s32 s10, $0x1;
	s10 =	sld [smem:$0x3FBA];
	_ =	sdelay $0x3  }
0x34: {  	[smem:$0x3FBA] =	sst s10  }
0x35: {  	s10 =	sld [smem:$0x3FB9];
	_ =	sdelay $0x3  }
0x36: {  	p1 =	seq.s32 s10, $0x1;
	s10 =	sld [smem:$0x3FBA];
	_ =	sdelay $0x3  }
0x37: {  	[smem:$0x3FBA] =	sst s10  }
0x38: {  	s10 =	sld [smem:$0x3FBB]  }
0x39: {  	_ = 	snop;
	(pc) =	sbr.ind lr, $3  }
0x3a: {  	_ = 	snop  }
0x3b: {  	_ = 	snop  }
0x3c: {  	p2 =	seq.s32 s10, $0x1;
	s10 =	sld [smem:$0x3FBA]  }
0x3d: {  	_ =	shalt  }
0x3e: {  	_ =	shalt  }
0x3f: {  	_ =	shalt  }
0x40: {  	_ =	shalt  }
0x41: {  	_ =	shalt  }
0x42: {  	_ =	shalt  }
0x43: {  	_ =	shalt  }
0x44: {  	_ =	shalt  }
0x45: {  	_ =	shalt  }
0x46: {  	_ =	shalt  }
0x47: {  	_ =	shalt  }
0x48: {  	_ =	shalt  }
0x49: {  	_ =	shalt  }
0x4a: {  	_ =	shalt  }
0x4b: {  	_ =	shalt  }
0x4c: {  	_ =	shalt  }
0x4d: {  	_ =	shalt  }
0x4e: {  	_ =	shalt  }
0x4f: {  	_ =	shalt  }
0x50: {  	_ =	shalt  }
0x51: {  	_ =	shalt  }
0x52: {  	_ =	shalt  }
0x53: {  	_ =	shalt  }
0x54: {  	_ =	shalt  }
0x55: {  	_ =	shalt  }
0x56: {  	_ =	shalt  }
0x57: {  	_ =	shalt  }
0x58: {  	_ =	shalt  }
0x59: {  	_ =	shalt  }
0x5a: {  	_ =	shalt  }
0x5b: {  	_ =	shalt  }
0x5c: {  	_ =	shalt  }
0x5d: {  	_ =	shalt  }
0x5e: {  	_ =	shalt  }
0x5f: {  	_ =	shalt  }
0x60: {  	_ =	shalt  }
0x61: {  	_ =	shalt  }
0x62: {  	_ =	shalt  }
0x63: {  	_ =	shalt  }
0x64: {  	_ =	shalt  }
0x65: {  	_ =	shalt  }
0x66: {  	_ =	shalt  }
0x67: {  	_ =	shalt  }
0x68: {  	_ =	shalt  }
0x69: {  	_ =	shalt  }
0x6a: {  	_ =	shalt  }
0x6b: {  	_ =	shalt  }
0x6c: {  	_ =	shalt  }
0x6d: {  	_ =	shalt  }
0x6e: {  	_ =	shalt  }
0x6f: {  	_ =	shalt  }
0x70: {  	_ =	shalt  }
0x71: {  	_ =	shalt  }
0x72: {  	_ =	shalt  }
0x73: {  	_ =	shalt  }
0x74: {  	_ =	shalt  }
0x75: {  	_ =	shalt  }
0x76: {  	_ =	shalt  }
0x77: {  	_ =	shalt  }
0x78: {  	_ =	shalt  }
0x79: {  	_ =	shalt  }
0x7a: {  	_ =	shalt  }
0x7b: {  	_ =	shalt  }
0x7c: {  	_ =	shalt  }
0x7d: {  	_ =	shalt  }
0x7e: {  	_ =	shalt  }
0x7f: {  	_ =	shalt  }
0x80: {  	_ =	shalt  }
0x81: {  	_ =	shalt  }
0x82: {  	_ =	shalt  }
0x83: {  	_ =	shalt  }
0x84: {  	_ =	shalt  }
0x85: {  	_ =	shalt  }
0x86: {  	_ =	shalt  }
0x87: {  	_ =	shalt  }
.Lfunc_end0:
.L_simem_size_0:
called_computation_lowered:
.L_overlay_start_0:
0x88: {  	s2 =	sld [smem:$0x3FD9]  }
0x89: {  	s3 =	sld [smem:$0x3FFE];
	_ =	sdelay $0x1  }
0x8a: {  	s1 =	srdreg.scid  }
0x8b: {  	s0 =	sand.u32 $0x1, s1  }
0x8c: {  	s17 =	sshll.u32 s0, $0xA;
	s2 =	sadd.s32 s3, s2  }
0x8d: {  	s2 =	sadd.s32 s2, s17  }
0x8e: {  	[smem:$0x3FC6] =	sst s2  }
0x8f: {  	_ = 	snop  }
0x90: {  	s2 =	sld [smem:$0x3FC9]  }
0x91: {  	s18 =	sld [smem:$0x3FD0];
	(tm) =	ssettm $0x1  }
0x92: {  	s4 =	sld [smem:$0x3FFB];
	_ =	sdelay $0x3  }
0x93: {  	_ =	strace s4  }
0x94: {  	s4 =	sld [smem:$0x3FFC];
	_ =	sdelay $0x3  }
0x95: {  	_ =	strace s4  }
0x96: {  	s4 =	sld [smem:$0x3FFD];
	_ =	sdelay $0x3  }
0x97: {  	_ =	strace s4  }
0x98: {  	_ =	strace $0x8FFFFFFF  }
0x99: {  	s19 =	sld [smem:$0x3FDB];
	_ =	sdelay $0x1  }
0x9a: {  	s5 =	simm.s32 $_scs_section_size  }
0x9b: {  	s6 =	simm.s32 $_size__tile_overlayer_lowered;
	s7 =	simm.s32 $_tile_overlayer_lowered  }
0x9c: {  	s22 =	simm.s32 $0x1BFF;
	s21 =	sshll.u32 s7, $0x1;
	s4 =	sadd.s32 s5, s19  }
0x9d: {  	s8 =	simm.s32 $0x0;
	s20 =	sshll.u32 s6, $0x1;
	s6 =	sadd.s32 s21, s4  }
0x9e: {  	[timem:s8], [sflag:s22] =	dma.local [hbm:s6], s20  }
0x9f: {  	_ =	swait.ge [sflag:s22], s20  }
0xa0: {  	s5 =	ssub.s32 $0x0, s20;
	[sflag:s22] =	ssyncset.done $0x0  }
0xa1: {  	[sflag:s22] =	ssyncadd.s32 s5;
	_ =	sdelay $0x1  }
0xa2: {  	s23 =	simm.s32 $0x1B8B  }
0xa3: {  	_ =	swait.ge [sflag:s23], $0x1  }
0xa4: {  	[sflag:s23] =	ssyncset.done $0x0  }
0xa5: {  	s25 =	simm.s32 $0x1B8E;
	s24 =	sld [smem:$0x3FFE];
	[sflag:s23] =	ssyncadd.s32 $0xFFFFFFFF  }
0xa6: {  	s26 =	simm.s32 $execute0_lowered;
	[smem:$0x3FD2] =	sst s25  }
0xa7: {  	s6 =	sshll.u32 s26, $0x1;
	_ =	strace $0x80000046;
	[dreg:$0x1] =	wrdreg $0xFFFFFFFF  }
0xa8: {  	s28 =	simm.s32 $_size_execute0_lowered;
	s4 =	sadd.s32 s4, s6;
	[dreg:$0x0] =	wrdreg $0x0  }
0xa9: {  	s6 =	sshll.u32 s28, $0x1;
	[dreg:$0x2] =	wrdreg s4  }
0xaa: {  	[dreg:$0x3] =	wrdreg s6  }
0xab: {  	[dreg:$0x4] =	wrdreg $0xC0  }
0xac: {  	_ =	task [dreg:s8], $0x5FFFF  }
0xad: {  	[dreg:$0x1] =	wrdreg $0xFFFFFFFF  }
0xae: {  	[dreg:$0x0] =	wrdreg $0x60  }
0xaf: {  	[dreg:$0x2] =	wrdreg s2  }
0xb0: {  	[dreg:$0x3] =	wrdreg s24  }
0xb1: {  	[dreg:$0x4] =	wrdreg s18  }
0xb2: {  	[dreg:$0x5] =	wrdreg $0x9  }
0xb3: {  	_ =	task.clear_ibuf [dreg:s8], $0x6FFFF;
	_ =	strace $0x90000046  }
0xb4: {  	s29 =	simm.s32 $0x9;
	_ =	strace $0x80000048  }
0xb5: {  	_ =	swait.ge [sflag:s29], $0x1  }
0xb6: {  	[sflag:s29] =	ssyncadd.s32 $0xFFFFFFFF  }
0xb7: {  	_ =	strace $0x90000048  }
0xb8: {  	_ =	sfence  }
0xb9: {  	s30 =	sld [smem:$0x0];
	_ =	sdelay $0x2  }
0xba: {  	s31 =	sshll.u32 s1, $0xD;
	s1 =	sshrl.u32 s1, $0x2  }
0xbb: {  	s3 =	sand.u32 $0x4000, s31;
	s1 =	sadd.s32 s1, s30  }
0xbc: {  	s0 =	sor.u32 s3, s0;
	s1 =	sshll.u32 s1, $0x11  }
0xbd: {  	s0 =	sor.u32 s1, s0  }
0xbe: {  	s0 =	sadd.s32 $0x8F2B, s0  }
0xbf: {  	[sflag:s0] =	ssyncadd.remote.s32 $0x1  }
0xc0: {  	_ =	sfence.sel $0xFFFF  }
0xc1: {  	[dreg:$0x0] =	wrdreg $0xFFFFFFFF;
	(pc) =	sbr.abs _section_cstart, $3  }
0xc2: {  	[dreg:$0x1] =	wrdreg $0xFFFFFFFF  }
0xc3: {  	_ =	task.clear_ibuf [dreg:s8], $0x2FFFF;
	_ =	strace $0x9FFFFFFF  }
0xc4: {  	(tm) =	ssettm $0x7FFFFFFF  }
0xc5: {  	_ =	shalt  }
tec
execute0_lowered:
.L_overlay_start_1:
0x0: {  	(tag) =	ssettag $0x1  }
0x1: {  	s4 =	rddreg [dreg:$0x0]  }
0x2: {  	s3 =	rddreg [dreg:$0x1]  }
0x3: {  	s6 =	rddreg [dreg:$0x2];
	s2 =	srdreg.scid  }
0x4: {  	s0 =	rddreg [dreg:$0x3];
	s1 =	stileid.u32;
	s11 =	simm.s32 $0x18000  }
0x5: {  	s12 =	simm.s32 $0x5;
	s13 =	simm.s32 $0x8000;
	s14 =	simm.s32 $0x1  }
0x6: {  	s15 =	simm.s32 $0x10000;
	s16 =	simm.s32 $0x2;
	s17 =	simm.s32 $0x4  }
0x7: {  	v0 =	vlaneseq.u32;
	s18 =	simm.s32 $0x14000;
	s19 =	simm.s32 $0x3;
	s20 =	simm.s32 $0x0  }
0x8: {  	s5 =	sand.u32 $0x1, s2;
	s2 =	simm.s32 $0x0;
	s7 =	sshll.u32 s1, $0xC;
	v0 =	vmul.u32 $0x80, v0  }
0x9: {  	s3 =	sadd.s32 $0x400, s3;
	s8 =	sshll.u32 s5, $0xB;
	[smem:$0x7FF] =	sst s2  }
.Ltmp0:
0xa: {  	s5 =	ssub.s32 $0x2, s5;
	s7 =	sor.u32 s8, s7;
	v1 =	vor.u32 $0x800, v0;
	v2 =	vor.u32 $0x1000, v0;
	v3 =	vor.u32 $0x1800, v0;
	(pc) =	sbr.rel .LBB2_1-.Ltmp0, $4  }
0xb: {  	_ =	strace $0x80000047;
	s9 =	sshrl.u32 s5, $0x1;
	v4 =	vor.u32 $0x2000, v0;
	v5 =	vor.u32 $0x2800, v0;
	v6 =	vor.u32 $0x3000, v0;
	s8 =	sshll.u32 s7, $0x5  }
0xc: {  	v7 =	vor.u32 $0x3800, v0;
	v8 =	vor.u32 $0x1, v0;
	v9 =	vor.u32 $0x801, v0;
	s9 =	ssub.s32 s5, s9;
	s7 =	sshll.u32 s7, $0x4;
	s4 =	sadd.s32 s4, s8  }
0xd: {  	v10 =	vor.u32 $0x1001, v0;
	v11 =	vor.u32 $0x1801, v0;
	v12 =	vor.u32 $0x2001, v0;
	s6 =	sadd.s32 s6, s7;
	s9 =	smax.u32 s9, $0x1;
	s5 =	sadd.s32 $0x1000, s4  }
0xe: {  	v13 =	vor.u32 $0x2801, v0;
	v14 =	vor.u32 $0x3001, v0;
	v15 =	vor.u32 $0x3801, v0;
	s7 =	sadd.s32 $0x2000, s4;
	s8 =	sadd.s32 $0x3000, s4;
	s10 =	sadd.s32 $0x800, s6  }
.LBB2_12:
0xf: {  	s20 =	sadd.s32 $0x1, s20  }
0x10: {  	_ =	swait.ge [sflag:s19], $0x4000;
	p0 =	sne.s32 s20, s9  }
.Ltmp1:
0x11: {  	[sflag:s19] =	ssyncset.done $0x0;
	(pc) =	sbr.rel @!p0 .LBB2_13-.Ltmp1, $4  }
0x12: {  	[sflag:s19] =	ssyncadd.s32 $0xFFFFC000  }
0x13: {  	_ =	swait.ge [sflag:s17], $0x4000  }
0x14: {  	[sflag:s17] =	ssyncset.done $0x0  }
0x15: {  	[sflag:s17] =	ssyncadd.s32 $0xFFFFC000  }
.LBB2_1:
0x16: {  	[tilespmem:s11], [sflag:$0x5] =	stream.linear.gather [hbm4b:s3+s2], $0x4000, $0x38;
	[tilespmem:$0x1C000] =	vst v63  }
0x17: {  	_ =	swait.ge [sflag:s12], $0x4000  }
0x18: {  	[sflag:s12] =	ssyncset.done $0x0  }
0x19: {  	[sflag:s12] =	ssyncadd.s32 $0xFFFFC000  }
0x1a: {  	v16 =	vld.idx.msk [tilespmem:v0+s11+$0x0], $0xffff  }
0x1b: {  	v17 =	vld.idx.msk [tilespmem:v1+s11+$0x0], $0xffff  }
0x1c: {  	v18 =	vld.idx.msk [tilespmem:v2+s11+$0x0], $0xffff  }
0x1d: {  	v19 =	vld.idx.msk [tilespmem:v3+s11+$0x0], $0xffff  }
0x1e: {  	v34 =	vld.idx.msk [tilespmem:v14+s11+$0x0], $0xffff;
	_ =	sdelay $0x1  }
0x1f: {  	v21 =	vshll.u32 v16, $0x3  }
0x20: {  	v20 =	vld.idx.msk [tilespmem:v4+s11+$0x0], $0xffff;
	v16 =	vand.u32 $0x7F, v16;
	v23 =	vshll.u32 v17, $0x3;
	v17 =	vand.u32 $0x7F, v17  }
0x21: {  	v22 =	vld.idx.msk [tilespmem:v5+s11+$0x0], $0xffff;
	v24 =	vand.u32 $0x7F, v18;
	v18 =	vshll.u32 v18, $0x3;
	v25 =	vshll.u32 v19, $0x3  }
0x22: {  	v26 =	vld.idx.msk [tilespmem:v7+s11+$0x0], $0xffff;
	v19 =	vand.u32 $0x7F, v19;
	v61 =	vand.u32 $0x7F, v34;
	v21 =	vand.u32 $0xFFFFFC00, v21  }
0x23: {  	v18 =	vand.u32 $0xFFFFFC00, v18;
	v16 =	vor.u32 v16, v21;
	v21 =	vand.u32 $0xFFFFFC00, v23;
	v23 =	vld.idx.msk [tilespmem:v6+s11+$0x0], $0xffff  }
0x24: {  	v62 =	vshll.u32 v34, $0x3;
	v25 =	vand.u32 $0xFFFFFC00, v25;
	v18 =	vor.u32 v24, v18  }
0x25: {  	v24 =	vld.idx.msk [tilespmem:v9+s11+$0x0], $0xffff;
	v17 =	vor.u32 v17, v21;
	v21 =	vand.u32 $0x7F, v20;
	v20 =	vshll.u32 v20, $0x3  }
0x26: {  	v27 =	vld.idx.msk [tilespmem:v8+s11+$0x0], $0xffff;
	v19 =	vor.u32 v19, v25;
	v25 =	vshll.u32 v22, $0x3;
	v20 =	vand.u32 $0xFFFFFC00, v20  }
0x27: {  	v22 =	vand.u32 $0x7F, v22;
	v25 =	vand.u32 $0xFFFFFC00, v25;
	v20 =	vor.u32 v21, v20  }
0x28: {  	v28 =	vld.idx.msk [tilespmem:v10+s11+$0x0], $0xffff;
	v21 =	vor.u32 v22, v25;
	v25 =	vshll.u32 v26, $0x3;
	v22 =	vshll.u32 v23, $0x3  }
0x29: {  	v29 =	vld.idx.msk [tilespmem:v11+s11+$0x0], $0xffff;
	v25 =	vand.u32 $0xFFFFFC00, v25;
	v23 =	vand.u32 $0x7F, v23;
	v22 =	vand.u32 $0xFFFFFC00, v22  }
0x2a: {  	v31 =	vshll.u32 v24, $0x3;
	v33 =	vand.u32 $0x7F, v24;
	v22 =	vor.u32 v23, v22  }
0x2b: {  	v30 =	vld.idx.msk [tilespmem:v12+s11+$0x0], $0xffff;
	v23 =	vand.u32 $0x7F, v26;
	v26 =	vand.u32 $0x7F, v27;
	v27 =	vshll.u32 v27, $0x3  }
0x2c: {  	v32 =	vld.idx.msk [tilespmem:v13+s11+$0x0], $0xffff;
	v31 =	vand.u32 $0xFFFFFC00, v31;
	v27 =	vand.u32 $0xFFFFFC00, v27;
	v23 =	vor.u32 v23, v25  }
0x2d: {  	v25 =	vor.u32 v33, v31;
	v31 =	vld.idx.msk [tilespmem:v15+s11+$0x0], $0xffff;
	v33 =	vand.u32 $0xFFFFFC00, v62;
	v24 =	vor.u32 v26, v27  }
0x2e: {  	v26 =	vand.u32 $0x7F, v28;
	v27 =	vshll.u32 v28, $0x3;
	v28 =	vshll.u32 v29, $0x3  }
0x2f: {  	v29 =	vand.u32 $0x7F, v29;
	v27 =	vand.u32 $0xFFFFFC00, v27;
	v28 =	vand.u32 $0xFFFFFC00, v28  }
0x30: {  	v26 =	vor.u32 v26, v27;
	v27 =	vor.u32 v29, v28;
	v28 =	vshll.u32 v30, $0x3  }
0x31: {  	v29 =	vand.u32 $0x7F, v30;
	v30 =	vshll.u32 v32, $0x3;
	v28 =	vand.u32 $0xFFFFFC00, v28  }
0x32: {  	[tilespmem:s2], [sflag:$0x1] =	stream.linear.gather [hbm4b:s4+s2], $0x8000, $0x38;
	v30 =	vand.u32 $0xFFFFFC00, v30;
	v28 =	vor.u32 v29, v28;
	v63 =	vshll.u32 v31, $0x3;
	[tilespmem:$0x1C000] =	vst v63  }
0x33: {  	s21 =	simm.s32 $0x0;
	v29 =	vand.u32 $0x7F, v32;
	v31 =	vand.u32 $0x7F, v31;
	v34 =	vand.u32 $0xFFFFFC00, v63  }
0x34: {  	[tilespmem:s13], [sflag:$0x2] =	stream.linear.gather [hbm4b:s5+s2], $0x8000, $0x38;
	v29 =	vor.u32 v29, v30;
	v30 =	vor.u32 v61, v33;
	v31 =	vor.u32 v31, v34;
	[tilespmem:$0x1C000] =	vst v63  }
.LBB2_2:
0x35: {  	s22 =	simm.s32 $0x0  }
0x36: {  	v32 =	vmov s22  }
0x37: {  	v33 =	vshll.u32 v32, $0x8  }
0x38: {  	v32 =	vshll.u32 v32, $0x7;
	v33 =	vand.u32 $0x7800, v33  }
0x39: {  	_ =	swait.ge [sflag:s14], $0x8000;
	v32 =	vand.u32 $0x380, v32;
	v34 =	vadd.s32 v16, v33  }
0x3a: {  	p0 =	seq.s32 s21, $0x0;
	[sflag:s14] =	ssyncset.done $0x0;
	v35 =	vadd.s32 v17, v33;
	v34 =	vor.u32 v32, v34  }
0x3b: {  	s22 =	simm.s32 @!p0 $0x3;
	[sflag:s14] =	ssyncadd.s32 $0xFFFF8000;
	v36 =	vadd.s32 v18, v33;
	v35 =	vor.u32 v32, v35  }
0x3c: {  	_ =	swait.ge @!p0 [sflag:s22], $0x4000;
	v37 =	vadd.s32 v19, v33;
	v36 =	vor.u32 v32, v36  }
0x3d: {  	[sflag:s22] =	ssyncset.done @!p0 $0x0;
	v38 =	vadd.s32 v23, v33;
	v37 =	vor.u32 v32, v37  }
0x3e: {  	v39 =	vadd.s32 v31, v33;
	[sflag:s22] =	ssyncadd.s32 @!p0 $0xFFFFC000;
	v38 =	vor.u32 v32, v38  }
0x3f: {  	v40 =	vadd.s32 v20, v33;
	v39 =	vor.u32 v32, v39;
	v34 =	vld.idx.msk [tilespmem:v34+s2+$0x0], $0xffff  }
0x40: {  	v41 =	vadd.s32 v21, v33;
	v40 =	vor.u32 v32, v40;
	v35 =	vld.idx.msk [tilespmem:v35+s2+$0x0], $0xffff  }
0x41: {  	v42 =	vadd.s32 v22, v33;
	v41 =	vor.u32 v32, v41;
	v36 =	vld.idx.msk [tilespmem:v36+s2+$0x0], $0xffff  }
0x42: {  	v43 =	vadd.s32 v24, v33;
	v42 =	vor.u32 v32, v42;
	v37 =	vld.idx.msk [tilespmem:v37+s2+$0x0], $0xffff  }
0x43: {  	v44 =	vadd.s32 v25, v33;
	v43 =	vor.u32 v32, v43;
	v38 =	vld.idx.msk [tilespmem:v38+s2+$0x0], $0xffff  }
0x44: {  	s30 =	simm.s32 $0x1;
	v45 =	vadd.s32 v26, v33;
	v44 =	vor.u32 v32, v44;
	v39 =	vld.idx.msk [tilespmem:v39+s2+$0x0], $0xffff  }
0x45: {  	v49 =	vmov s30;
	v46 =	vadd.s32 v27, v33;
	v45 =	vor.u32 v32, v45;
	v40 =	vld.idx.msk [tilespmem:v40+s2+$0x0], $0xffff  }
0x46: {  	v50 =	vshll.u32 v49, $0x8;
	v47 =	vadd.s32 v28, v33;
	v46 =	vor.u32 v32, v46;
	v41 =	vld.idx.msk [tilespmem:v41+s2+$0x0], $0xffff  }
0x47: {  	v49 =	vshll.u32 v49, $0x7;
	v48 =	vadd.s32 v29, v33;
	v47 =	vor.u32 v32, v47;
	v42 =	vld.idx.msk [tilespmem:v42+s2+$0x0], $0xffff  }
0x48: {  	v50 =	vand.u32 $0x7800, v50;
	v33 =	vadd.s32 v30, v33;
	v48 =	vor.u32 v32, v48;
	v43 =	vld.idx.msk [tilespmem:v43+s2+$0x0], $0xffff  }
0x49: {  	v49 =	vand.u32 $0x380, v49;
	v57 =	vadd.s32 v16, v50;
	v32 =	vor.u32 v32, v33;
	v44 =	vld.idx.msk [tilespmem:v44+s2+$0x0], $0xffff  }
0x4a: {  	v51 =	vadd.s32 v18, v50;
	v33 =	vor.u32 v49, v57;
	v45 =	vld.idx.msk [tilespmem:v45+s2+$0x0], $0xffff  }
0x4b: {  	v58 =	vadd.s32 v17, v50;
	v60 =	vadd.s32 v19, v50;
	v59 =	vor.u32 v49, v51;
	v46 =	vld.idx.msk [tilespmem:v46+s2+$0x0], $0xffff  }
0x4c: {  	v53 =	vadd.s32 v23, v50;
	v61 =	vadd.s32 v31, v50;
	v51 =	vor.u32 v49, v60;
	v47 =	vld.idx.msk [tilespmem:v47+s2+$0x0], $0xffff  }
0x4d: {  	v62 =	vadd.s32 v20, v50;
	v53 =	vor.u32 v49, v53;
	v55 =	vor.u32 v49, v61;
	v48 =	vld.idx.msk [tilespmem:v48+s2+$0x0], $0xffff  }
0x4e: {  	v63 =	vor.u32 v49, v62;
	v57 =	vadd.s32 v21, v50;
	v60 =	vadd.s32 v24, v50;
	v54 =	vld.idx.msk [tilespmem:v32+s2+$0x0], $0xffff  }
0x4f: {  	v61 =	vadd.s32 v25, v50;
	v62 =	vadd.s32 v26, v50;
	v44 =	vadd.f32 v44, v35;
	v35 =	vld.idx.msk [tilespmem:v33+s2+$0x0], $0xffff  }
0x50: {  	v38 =	vadd.f32 v39, v38;
	v39 =	vor.u32 v49, v58;
	v43 =	vadd.f32 v43, v34;
	v33 =	vld.idx.msk [tilespmem:v59+s2+$0x0], $0xffff  }
0x51: {  	v36 =	vadd.f32 v45, v36;
	v45 =	vadd.f32 v46, v37;
	v58 =	vor.u32 v49, v57;
	v34 =	vld.idx.msk [tilespmem:v51+s2+$0x0], $0xffff  }
0x52: {  	v40 =	vadd.f32 v47, v40;
	v41 =	vadd.f32 v48, v41;
	v48 =	vld.idx.msk [tilespmem:v53+s2+$0x0], $0xffff;
	v47 =	vor.u32 v49, v60  }
0x53: {  	v59 =	vadd.s32 v22, v50;
	v53 =	vadd.f32 v54, v42;
	v51 =	vor.u32 v49, v61;
	v54 =	vld.idx.msk [tilespmem:v55+s2+$0x0], $0xffff  }
0x54: {  	s31 =	simm.s32 $0x2;
	v37 =	vld.idx.msk [tilespmem:v63+s2+$0x0], $0xffff;
	v55 =	vor.u32 v49, v62;
	v63 =	vadd.s32 v27, v50;
	v46 =	vor.u32 v49, v59  }
0x55: {  	v42 =	vadd.s32 v28, v50;
	v60 =	vmov s31;
	v52 =	vmul.f32 $5.000000000e-01, v38;
	v32 =	vld.idx.msk [tilespmem:v39+s2+$0x0], $0xffff  }
0x56: {  	s23 =	simm.s32 $0x10040;
	v61 =	vadd.s32 v30, v50;
	v56 =	vor.u32 v49, v63;
	v44 =	vmul.f32 $5.000000000e-01, v44;
	v38 =	vld.idx.msk [tilespmem:v58+s2+$0x0], $0xffff  }
0x57: {  	v59 =	vadd.s32 v29, v50;
	v43 =	vmul.f32 $5.000000000e-01, v43;
	[tilespmem:s23+$0x30] =	vst v52;
	v52 =	vor.u32 v49, v42;
	v42 =	vld.idx.msk [tilespmem:v47+s2+$0x0], $0xffff  }
0x58: {  	v62 =	vshll.u32 v60, $0x8;
	v57 =	vmul.f32 $5.000000000e-01, v36;
	[tilespmem:s23+$0xFFFFFFD0] =	vst v44;
	v58 =	vor.u32 v49, v59;
	v44 =	vld.idx.msk [tilespmem:v51+s2+$0x0], $0xffff  }
0x59: {  	v63 =	vmul.f32 $5.000000000e-01, v40;
	[tilespmem:s23+$0xFFFFFFC0] =	vst v43;
	v47 =	vor.u32 v49, v61;
	v36 =	vld.idx.msk [tilespmem:v46+s2+$0x0], $0xffff;
	v46 =	vmul.f32 $5.000000000e-01, v45  }
0x5a: {  	[tilespmem:s23+$0xFFFFFFE0] =	vst v57;
	v39 =	vand.u32 $0x7800, v62;
	v59 =	vshll.u32 v60, $0x7;
	v60 =	vadd.f32 v54, v48;
	v45 =	vld.idx.msk [tilespmem:v55+s2+$0x0], $0xffff  }
0x5b: {  	v62 =	vmul.f32 $5.000000000e-01, v41;
	v40 =	vand.u32 $0x380, v59;
	v61 =	vadd.s32 v16, v39;
	[tilespmem:s23+$0xFFFFFFF0] =	vst v46;
	v46 =	vld.idx.msk [tilespmem:v56+s2+$0x0], $0xffff  }
0x5c: {  	[tilespmem:s23+$0x0] =	vst v63;
	v63 =	vadd.s32 v17, v39;
	v50 =	vor.u32 v40, v61;
	v48 =	vmul.f32 $5.000000000e-01, v60;
	v41 =	vld.idx.msk [tilespmem:v52+s2+$0x0], $0xffff  }
0x5d: {  	s25 =	simm.s32 $0x3;
	s24 =	simm.s32 $0x100C0;
	s22 =	sshll.u32 s21, $0xD;
	v49 =	vmul.f32 $5.000000000e-01, v53;
	v51 =	vor.u32 v40, v63;
	[tilespmem:s23+$0x10] =	vst v62;
	v52 =	vadd.s32 v18, v39;
	v43 =	vld.idx.msk [tilespmem:v58+s2+$0x0], $0xffff  }
.LBB2_3:
0x5e: {  	p1 =	sne.s32 s25, $0x7F;
	v52 =	vor.u32 v40, v52;
	v53 =	vadd.s32 v19, v39;
	v47 =	vld.idx.msk [tilespmem:v47+s2+$0x0], $0xffff;
	[tilespmem:s24+$0x30] =	vst v48  }
0x5f: {  	v42 =	vadd.f32 v42, v35;
	v48 =	vor.u32 v40, v53;
	v53 =	vadd.s32 v23, v39;
	[tilespmem:s23+$0x20] =	vst v49;
	s23 =	smov.u32 s24  }
0x60: {  	v44 =	vadd.f32 v44, v32;
	v49 =	vor.u32 v40, v53;
	v53 =	vadd.s32 v31, v39  }
0x61: {  	v45 =	vadd.f32 v45, v33;
	v35 =	vld.idx.msk [tilespmem:v50+s2+$0x0], $0xffff;
	v50 =	vadd.s32 v20, v39;
	v53 =	vor.u32 v40, v53  }
0x62: {  	v46 =	vadd.f32 v46, v34;
	v32 =	vld.idx.msk [tilespmem:v51+s2+$0x0], $0xffff;
	v50 =	vor.u32 v40, v50;
	v51 =	vadd.s32 v21, v39  }
0x63: {  	v41 =	vadd.f32 v41, v37;
	v33 =	vld.idx.msk [tilespmem:v52+s2+$0x0], $0xffff;
	v51 =	vor.u32 v40, v51;
	v52 =	vadd.s32 v22, v39  }
0x64: {  	v37 =	vadd.s32 v24, v39;
	v43 =	vadd.f32 v43, v38;
	v34 =	vld.idx.msk [tilespmem:v48+s2+$0x0], $0xffff;
	v48 =	vor.u32 v40, v52  }
0x65: {  	v54 =	vadd.f32 v47, v36;
	v52 =	vor.u32 v40, v37;
	v37 =	vadd.s32 v25, v39;
	v49 =	vld.idx.msk [tilespmem:v49+s2+$0x0], $0xffff  }
0x66: {  	v42 =	vmul.f32 $5.000000000e-01, v42;
	v36 =	vadd.s32 v26, v39;
	v47 =	vor.u32 v40, v37;
	v53 =	vld.idx.msk [tilespmem:v53+s2+$0x0], $0xffff  }
0x67: {  	v44 =	vmul.f32 $5.000000000e-01, v44;
	v37 =	vld.idx.msk [tilespmem:v50+s2+$0x0], $0xffff;
	v50 =	vor.u32 v40, v36;
	v36 =	vadd.s32 v27, v39  }
0x68: {  	v55 =	vadd.s32 v28, v39;
	v45 =	vmul.f32 $5.000000000e-01, v45;
	v38 =	vld.idx.msk [tilespmem:v51+s2+$0x0], $0xffff;
	v51 =	vor.u32 v40, v36;
	[tilespmem:s24+$0xFFFFFFC0] =	vst v42  }
0x69: {  	v46 =	vmul.f32 $5.000000000e-01, v46;
	v36 =	vld.idx.msk [tilespmem:v48+s2+$0x0], $0xffff;
	v48 =	vor.u32 v40, v55;
	v55 =	vadd.s32 v29, v39;
	[tilespmem:s24+$0xFFFFFFD0] =	vst v44  }
0x6a: {  	v56 =	vmov s25;
	v39 =	vadd.s32 v30, v39;
	v42 =	vld.idx.msk [tilespmem:v52+s2+$0x0], $0xffff;
	v55 =	vor.u32 v40, v55;
	[tilespmem:s24+$0xFFFFFFE0] =	vst v45  }
.Ltmp2:
0x6b: {  	v41 =	vmul.f32 $5.000000000e-01, v41;
	v45 =	vshll.u32 v56, $0x8;
	v44 =	vld.idx.msk [tilespmem:v47+s2+$0x0], $0xffff;
	v47 =	vor.u32 v40, v39;
	[tilespmem:s24+$0xFFFFFFF0] =	vst v46;
	(pc) =	sbr.rel @p1 .LBB2_3-.Ltmp2, $4  }
0x6c: {  	v39 =	vand.u32 $0x7800, v45;
	v40 =	vshll.u32 v56, $0x7;
	v49 =	vadd.f32 v53, v49;
	v45 =	vld.idx.msk [tilespmem:v50+s2+$0x0], $0xffff  }
0x6d: {  	v53 =	vmul.f32 $5.000000000e-01, v43;
	v40 =	vand.u32 $0x380, v40;
	v50 =	vadd.s32 v16, v39;
	v46 =	vld.idx.msk [tilespmem:v51+s2+$0x0], $0xffff;
	[tilespmem:s24+$0x0] =	vst v41  }
0x6e: {  	v43 =	vadd.s32 v17, v39;
	v50 =	vor.u32 v40, v50;
	v41 =	vld.idx.msk [tilespmem:v48+s2+$0x0], $0xffff;
	v48 =	vmul.f32 $5.000000000e-01, v49  }
0x6f: {  	s25 =	sadd.s32 $0x1, s25;
	v52 =	vadd.s32 v18, v39;
	v51 =	vor.u32 v40, v43;
	s24 =	sadd.s32 $0x80, s24;
	v49 =	vmul.f32 $5.000000000e-01, v54;
	v43 =	vld.idx.msk [tilespmem:v55+s2+$0x0], $0xffff;
	[tilespmem:s23+$0x10] =	vst v53  }
0x70: {  	_ =	sdelay $0x1  }
0x71: {  	v52 =	vor.u32 v40, v52;
	v53 =	vadd.s32 v19, v39  }
0x72: {  	v54 =	vadd.s32 v23, v39;
	v53 =	vor.u32 v40, v53  }
0x73: {  	v47 =	vld.idx.msk [tilespmem:v47+s2+$0x0], $0xffff;
	v55 =	vadd.s32 v31, v39;
	v54 =	vor.u32 v40, v54  }
0x74: {  	v50 =	vld.idx.msk [tilespmem:v50+s2+$0x0], $0xffff;
	v56 =	vadd.s32 v20, v39;
	v55 =	vor.u32 v40, v55  }
0x75: {  	v51 =	vld.idx.msk [tilespmem:v51+s2+$0x0], $0xffff;
	v57 =	vadd.s32 v21, v39;
	v56 =	vor.u32 v40, v56  }
0x76: {  	v58 =	vadd.s32 v22, v39;
	v57 =	vor.u32 v40, v57;
	v52 =	vld.idx.msk [tilespmem:v52+s2+$0x0], $0xffff  }
0x77: {  	v59 =	vadd.s32 v24, v39;
	v62 =	vadd.s32 v25, v39;
	v58 =	vor.u32 v40, v58;
	v53 =	vld.idx.msk [tilespmem:v53+s2+$0x0], $0xffff  }
0x78: {  	v35 =	vadd.f32 v42, v35;
	v32 =	vadd.f32 v44, v32;
	v44 =	vor.u32 v40, v62;
	v42 =	vld.idx.msk [tilespmem:v54+s2+$0x0], $0xffff  }
0x79: {  	v63 =	vadd.s32 v26, v39;
	v60 =	vadd.s32 v27, v39;
	v54 =	vor.u32 v40, v59;
	v55 =	vld.idx.msk [tilespmem:v55+s2+$0x0], $0xffff  }
0x7a: {  	v61 =	vadd.s32 v28, v39;
	v33 =	vadd.f32 v45, v33;
	v45 =	vld.idx.msk [tilespmem:v56+s2+$0x0], $0xffff;
	v56 =	vor.u32 v40, v63  }
0x7b: {  	v34 =	vadd.f32 v46, v34;
	v35 =	vmul.f32 $5.000000000e-01, v35;
	v46 =	vld.idx.msk [tilespmem:v57+s2+$0x0], $0xffff;
	v57 =	vor.u32 v40, v60  }
0x7c: {  	[tilespmem:s24+$0x30] =	vst v48;
	v48 =	vld.idx.msk [tilespmem:v58+s2+$0x0], $0xffff;
	v58 =	vor.u32 v40, v61;
	v63 =	vadd.s32 v30, v39  }
0x7d: {  	v62 =	vadd.s32 v29, v39;
	v32 =	vmul.f32 $5.000000000e-01, v32;
	[tilespmem:s24+$0xFFFFFFC0] =	vst v35;
	v39 =	vld.idx.msk [tilespmem:v44+s2+$0x0], $0xffff;
	v35 =	vor.u32 v40, v63  }
0x7e: {  	[tilespmem:s23+$0x20] =	vst v49;
	v37 =	vadd.f32 v41, v37;
	v33 =	vmul.f32 $5.000000000e-01, v33;
	v49 =	vld.idx.msk [tilespmem:v54+s2+$0x0], $0xffff;
	v54 =	vor.u32 v40, v62  }
0x7f: {  	v38 =	vadd.f32 v43, v38;
	[tilespmem:s24+$0xFFFFFFD0] =	vst v32;
	v44 =	vmul.f32 $5.000000000e-01, v34;
	v34 =	vld.idx.msk [tilespmem:v56+s2+$0x0], $0xffff  }
0x80: {  	[tilespmem:s24+$0xFFFFFFE0] =	vst v33;
	v36 =	vadd.f32 v47, v36;
	v59 =	vmul.f32 $5.000000000e-01, v37;
	v61 =	vld.idx.msk [tilespmem:v57+s2+$0x0], $0xffff  }
0x81: {  	[tilespmem:s24+$0xFFFFFFF0] =	vst v44;
	v60 =	vadd.f32 v55, v42;
	v62 =	vmul.f32 $5.000000000e-01, v38;
	v63 =	vld.idx.msk [tilespmem:v58+s2+$0x0], $0xffff  }
0x82: {  	[tilespmem:s24+$0x0] =	vst v59;
	v55 =	vmul.f32 $5.000000000e-01, v36;
	v56 =	vadd.f32 v39, v51;
	v35 =	vld.idx.msk [tilespmem:v35+s2+$0x0], $0xffff  }
0x83: {  	v44 =	vmul.f32 $5.000000000e-01, v60;
	[tilespmem:s24+$0x10] =	vst v62;
	v47 =	vld.idx.msk [tilespmem:v54+s2+$0x0], $0xffff;
	v54 =	vadd.f32 v49, v50  }
0x84: {  	s25 =	sadd.s32 $0x80, s24;
	[tilespmem:s24+$0x20] =	vst v55;
	v36 =	vmul.f32 $5.000000000e-01, v56;
	v57 =	vadd.f32 v34, v52  }
0x85: {  	[tilespmem:s25+$0x30] =	vst v44;
	v59 =	vadd.f32 v61, v53;
	v58 =	vmul.f32 $5.000000000e-01, v54  }
0x86: {  	v38 =	vadd.f32 v63, v45;
	[tilespmem:s25+$0xFFFFFFD0] =	vst v36;
	v33 =	vmul.f32 $5.000000000e-01, v57  }
0x87: {  	v35 =	vadd.f32 v35, v48;
	v32 =	vmul.f32 $5.000000000e-01, v59;
	[tilespmem:s25+$0xFFFFFFC0] =	vst v58  }
0x88: {  	p1 =	sne.s32 s21, $0x7;
	v61 =	vmul.f32 $5.000000000e-01, v38;
	[tilespmem:s25+$0xFFFFFFE0] =	vst v33;
	v60 =	vadd.f32 v47, v46  }
.Ltmp3:
0x89: {  	v63 =	vmul.f32 $5.000000000e-01, v35;
	[tilespmem:s25+$0xFFFFFFF0] =	vst v32;
	(pc) =	sbr.rel @p1 .LBB2_6-.Ltmp3, $4  }
0x8a: {  	[tilespmem:s25+$0x0] =	vst v61;
	v62 =	vmul.f32 $5.000000000e-01, v60  }
0x8b: {  	s23 =	sshll.u32 s21, $0xC;
	[tilespmem:s25+$0x20] =	vst v63  }
0x8c: {  	s31 =	sadd.s32 s23, s6;
	[tilespmem:s25+$0x10] =	vst v62  }
0x8d: {  	[hbm4b:s31+s2] =	stream.linear.scatter [tilespmem:s15], [sflag:$0x3], $0x4000, $0x38;
	[tilespmem:$0x1C000] =	vst v63  }
.Ltmp4:
0x8e: {  	(pc) =	sbr.rel .LBB2_7-.Ltmp4, $4  }
0x8f: {  	_ = 	snop  }
0x90: {  	_ =	swait.ge [sflag:s16], $0x8000  }
0x91: {  	[sflag:s16] =	ssyncset.done $0x0  }
0x92: {  	[sflag:s16] =	ssyncadd.s32 $0xFFFF8000  }
.LBB2_6:
.Ltmp5:
0x93: {  	s24 =	sadd.s32 s22, s7;
	(pc) =	sbr.rel @p0 .LBB2_8-.Ltmp5, $4  }
0x94: {  	[tilespmem:s2], [sflag:$0x1] =	stream.linear.gather [hbm4b:s24+s2], $0x8000, $0x38;
	[tilespmem:$0x1C000] =	vst v63  }
0x95: {  	_ =	swait.ge [sflag:s16], $0x8000  }
0x96: {  	[sflag:s16] =	ssyncset.done $0x0  }
0x97: {  	[sflag:s16] =	ssyncadd.s32 $0xFFFF8000  }
.LBB2_7:
0x98: {  	_ =	swait.ge [sflag:s17], $0x4000  }
0x99: {  	[sflag:s17] =	ssyncset.done $0x0  }
0x9a: {  	[sflag:s17] =	ssyncadd.s32 $0xFFFFC000  }
.LBB2_8:
0x9b: {  	s24 =	simm.s32 $0x0  }
0x9c: {  	v32 =	vmov s24  }
0x9d: {  	v33 =	vshll.u32 v32, $0x8  }
0x9e: {  	v32 =	vshll.u32 v32, $0x7;
	v33 =	vand.u32 $0x7800, v33  }
0x9f: {  	v32 =	vand.u32 $0x380, v32;
	v34 =	vadd.s32 v16, v33  }
0xa0: {  	v35 =	vadd.s32 v17, v33;
	v34 =	vor.u32 v32, v34  }
0xa1: {  	v36 =	vadd.s32 v18, v33;
	v35 =	vor.u32 v32, v35  }
0xa2: {  	v37 =	vadd.s32 v19, v33;
	v36 =	vor.u32 v32, v36  }
0xa3: {  	v38 =	vadd.s32 v23, v33;
	v37 =	vor.u32 v32, v37  }
0xa4: {  	v39 =	vadd.s32 v31, v33;
	v38 =	vor.u32 v32, v38  }
0xa5: {  	v40 =	vadd.s32 v20, v33;
	v39 =	vor.u32 v32, v39;
	v34 =	vld.idx.msk [tilespmem:v34+s13+$0x0], $0xffff  }
0xa6: {  	v41 =	vadd.s32 v21, v33;
	v40 =	vor.u32 v32, v40;
	v35 =	vld.idx.msk [tilespmem:v35+s13+$0x0], $0xffff  }
0xa7: {  	v42 =	vadd.s32 v22, v33;
	v41 =	vor.u32 v32, v41;
	v36 =	vld.idx.msk [tilespmem:v36+s13+$0x0], $0xffff  }
0xa8: {  	v43 =	vadd.s32 v24, v33;
	v42 =	vor.u32 v32, v42;
	v37 =	vld.idx.msk [tilespmem:v37+s13+$0x0], $0xffff  }
0xa9: {  	v44 =	vadd.s32 v25, v33;
	v43 =	vor.u32 v32, v43;
	v38 =	vld.idx.msk [tilespmem:v38+s13+$0x0], $0xffff  }
0xaa: {  	s31 =	simm.s32 $0x1;
	v45 =	vadd.s32 v26, v33;
	v44 =	vor.u32 v32, v44;
	v39 =	vld.idx.msk [tilespmem:v39+s13+$0x0], $0xffff  }
0xab: {  	v49 =	vmov s31;
	v46 =	vadd.s32 v27, v33;
	v45 =	vor.u32 v32, v45;
	v40 =	vld.idx.msk [tilespmem:v40+s13+$0x0], $0xffff  }
0xac: {  	v50 =	vshll.u32 v49, $0x8;
	v47 =	vadd.s32 v28, v33;
	v46 =	vor.u32 v32, v46;
	v41 =	vld.idx.msk [tilespmem:v41+s13+$0x0], $0xffff  }
0xad: {  	v49 =	vshll.u32 v49, $0x7;
	v48 =	vadd.s32 v29, v33;
	v47 =	vor.u32 v32, v47;
	v42 =	vld.idx.msk [tilespmem:v42+s13+$0x0], $0xffff  }
0xae: {  	v50 =	vand.u32 $0x7800, v50;
	v33 =	vadd.s32 v30, v33;
	v48 =	vor.u32 v32, v48;
	v43 =	vld.idx.msk [tilespmem:v43+s13+$0x0], $0xffff  }
0xaf: {  	v49 =	vand.u32 $0x380, v49;
	v61 =	vadd.s32 v16, v50;
	v32 =	vor.u32 v32, v33;
	v44 =	vld.idx.msk [tilespmem:v44+s13+$0x0], $0xffff  }
0xb0: {  	v51 =	vadd.s32 v18, v50;
	v33 =	vor.u32 v49, v61;
	v45 =	vld.idx.msk [tilespmem:v45+s13+$0x0], $0xffff  }
0xb1: {  	v62 =	vadd.s32 v17, v50;
	v56 =	vadd.s32 v19, v50;
	v63 =	vor.u32 v49, v51;
	v46 =	vld.idx.msk [tilespmem:v46+s13+$0x0], $0xffff  }
0xb2: {  	v53 =	vadd.s32 v23, v50;
	v57 =	vadd.s32 v31, v50;
	v51 =	vor.u32 v49, v56;
	v47 =	vld.idx.msk [tilespmem:v47+s13+$0x0], $0xffff  }
0xb3: {  	v58 =	vadd.s32 v20, v50;
	v60 =	vadd.s32 v21, v50;
	v53 =	vor.u32 v49, v53;
	v48 =	vld.idx.msk [tilespmem:v48+s13+$0x0], $0xffff  }
0xb4: {  	v55 =	vor.u32 v49, v57;
	v59 =	vor.u32 v49, v58;
	v61 =	vor.u32 v49, v60;
	v54 =	vld.idx.msk [tilespmem:v32+s13+$0x0], $0xffff  }
0xb5: {  	v56 =	vadd.s32 v24, v50;
	v57 =	vadd.s32 v25, v50;
	v44 =	vadd.f32 v44, v35;
	v35 =	vld.idx.msk [tilespmem:v33+s13+$0x0], $0xffff  }
0xb6: {  	v58 =	vadd.s32 v26, v50;
	v60 =	vadd.s32 v28, v50;
	v38 =	vadd.f32 v39, v38;
	v33 =	vld.idx.msk [tilespmem:v63+s13+$0x0], $0xffff  }
0xb7: {  	v39 =	vor.u32 v49, v62;
	v43 =	vadd.f32 v43, v34;
	v62 =	vadd.s32 v22, v50;
	v34 =	vld.idx.msk [tilespmem:v51+s13+$0x0], $0xffff  }
0xb8: {  	v40 =	vadd.f32 v47, v40;
	v41 =	vadd.f32 v48, v41;
	v48 =	vld.idx.msk [tilespmem:v53+s13+$0x0], $0xffff;
	v47 =	vor.u32 v49, v56  }
0xb9: {  	v36 =	vadd.f32 v45, v36;
	v53 =	vadd.f32 v54, v42;
	v54 =	vld.idx.msk [tilespmem:v55+s13+$0x0], $0xffff;
	v63 =	vor.u32 v49, v62  }
0xba: {  	v45 =	vadd.f32 v46, v37;
	v42 =	vor.u32 v49, v57;
	v37 =	vld.idx.msk [tilespmem:v59+s13+$0x0], $0xffff;
	v51 =	vor.u32 v49, v58  }
0xbb: {  	v59 =	vadd.s32 v27, v50;
	v52 =	vmul.f32 $5.000000000e-01, v38;
	v43 =	vmul.f32 $5.000000000e-01, v43;
	v38 =	vld.idx.msk [tilespmem:v61+s13+$0x0], $0xffff  }
0xbc: {  	s24 =	simm.s32 $0x14040;
	v55 =	vor.u32 v49, v59;
	v44 =	vmul.f32 $5.000000000e-01, v44;
	v61 =	vadd.s32 v29, v50;
	v32 =	vld.idx.msk [tilespmem:v39+s13+$0x0], $0xffff  }
0xbd: {  	s25 =	simm.s32 $0x2;
	v56 =	vmul.f32 $5.000000000e-01, v36;
	v62 =	vmul.f32 $5.000000000e-01, v45;
	v57 =	vor.u32 v49, v61;
	[tilespmem:s24+$0xFFFFFFC0] =	vst v43;
	v43 =	vld.idx.msk [tilespmem:v47+s13+$0x0], $0xffff  }
0xbe: {  	v50 =	vadd.s32 v30, v50;
	[tilespmem:s24+$0x30] =	vst v52;
	v52 =	vor.u32 v49, v60;
	v36 =	vld.idx.msk [tilespmem:v63+s13+$0x0], $0xffff;
	v63 =	vmov s25  }
0xbf: {  	v59 =	vmul.f32 $5.000000000e-01, v40;
	[tilespmem:s24+$0xFFFFFFD0] =	vst v44;
	v47 =	vor.u32 v49, v50;
	v44 =	vld.idx.msk [tilespmem:v42+s13+$0x0], $0xffff;
	v58 =	vshll.u32 v63, $0x8  }
0xc0: {  	[tilespmem:s24+$0xFFFFFFE0] =	vst v56;
	v45 =	vld.idx.msk [tilespmem:v51+s13+$0x0], $0xffff;
	v48 =	vadd.f32 v54, v48;
	v60 =	vshll.u32 v63, $0x7;
	v39 =	vand.u32 $0x7800, v58  }
0xc1: {  	[tilespmem:s24+$0xFFFFFFF0] =	vst v62;
	v62 =	vmul.f32 $5.000000000e-01, v41;
	v46 =	vld.idx.msk [tilespmem:v55+s13+$0x0], $0xffff;
	v40 =	vand.u32 $0x380, v60;
	v61 =	vadd.s32 v16, v39  }
0xc2: {  	[tilespmem:s24+$0x0] =	vst v59;
	v48 =	vmul.f32 $5.000000000e-01, v48;
	v42 =	vld.idx.msk [tilespmem:v57+s13+$0x0], $0xffff;
	v63 =	vadd.s32 v17, v39;
	v50 =	vor.u32 v40, v61  }
0xc3: {  	s26 =	simm.s32 $0x3;
	v49 =	vmul.f32 $5.000000000e-01, v53;
	[tilespmem:s24+$0x10] =	vst v62;
	s25 =	simm.s32 $0x140C0;
	v41 =	vld.idx.msk [tilespmem:v52+s13+$0x0], $0xffff;
	v52 =	vadd.s32 v18, v39;
	v51 =	vor.u32 v40, v63  }
.LBB2_9:
0xc4: {  	p0 =	sne.s32 s26, $0x7F;
	v52 =	vor.u32 v40, v52;
	v53 =	vadd.s32 v19, v39;
	v47 =	vld.idx.msk [tilespmem:v47+s13+$0x0], $0xffff;
	[tilespmem:s25+$0x30] =	vst v48  }
0xc5: {  	v43 =	vadd.f32 v43, v35;
	v48 =	vor.u32 v40, v53;
	v53 =	vadd.s32 v23, v39;
	[tilespmem:s24+$0x20] =	vst v49;
	s24 =	smov.u32 s25  }
0xc6: {  	v44 =	vadd.f32 v44, v32;
	v49 =	vor.u32 v40, v53;
	v53 =	vadd.s32 v31, v39  }
0xc7: {  	v45 =	vadd.f32 v45, v33;
	v35 =	vld.idx.msk [tilespmem:v50+s13+$0x0], $0xffff;
	v50 =	vadd.s32 v20, v39;
	v53 =	vor.u32 v40, v53  }
0xc8: {  	v46 =	vadd.f32 v46, v34;
	v32 =	vld.idx.msk [tilespmem:v51+s13+$0x0], $0xffff;
	v50 =	vor.u32 v40, v50;
	v51 =	vadd.s32 v21, v39  }
0xc9: {  	v41 =	vadd.f32 v41, v37;
	v33 =	vld.idx.msk [tilespmem:v52+s13+$0x0], $0xffff;
	v51 =	vor.u32 v40, v51;
	v52 =	vadd.s32 v22, v39  }
0xca: {  	v37 =	vadd.s32 v24, v39;
	v42 =	vadd.f32 v42, v38;
	v34 =	vld.idx.msk [tilespmem:v48+s13+$0x0], $0xffff;
	v48 =	vor.u32 v40, v52  }
0xcb: {  	v54 =	vadd.f32 v47, v36;
	v52 =	vor.u32 v40, v37;
	v37 =	vadd.s32 v25, v39;
	v49 =	vld.idx.msk [tilespmem:v49+s13+$0x0], $0xffff  }
0xcc: {  	v43 =	vmul.f32 $5.000000000e-01, v43;
	v36 =	vadd.s32 v26, v39;
	v47 =	vor.u32 v40, v37;
	v53 =	vld.idx.msk [tilespmem:v53+s13+$0x0], $0xffff  }
0xcd: {  	v44 =	vmul.f32 $5.000000000e-01, v44;
	v37 =	vld.idx.msk [tilespmem:v50+s13+$0x0], $0xffff;
	v50 =	vor.u32 v40, v36;
	v36 =	vadd.s32 v27, v39  }
0xce: {  	v55 =	vadd.s32 v28, v39;
	v45 =	vmul.f32 $5.000000000e-01, v45;
	v38 =	vld.idx.msk [tilespmem:v51+s13+$0x0], $0xffff;
	v51 =	vor.u32 v40, v36;
	[tilespmem:s25+$0xFFFFFFC0] =	vst v43  }
0xcf: {  	v46 =	vmul.f32 $5.000000000e-01, v46;
	v36 =	vld.idx.msk [tilespmem:v48+s13+$0x0], $0xffff;
	v48 =	vor.u32 v40, v55;
	v55 =	vadd.s32 v29, v39;
	[tilespmem:s25+$0xFFFFFFD0] =	vst v44  }
0xd0: {  	v56 =	vmov s26;
	v39 =	vadd.s32 v30, v39;
	v43 =	vld.idx.msk [tilespmem:v52+s13+$0x0], $0xffff;
	v55 =	vor.u32 v40, v55;
	[tilespmem:s25+$0xFFFFFFE0] =	vst v45  }
.Ltmp6:
0xd1: {  	v41 =	vmul.f32 $5.000000000e-01, v41;
	v45 =	vshll.u32 v56, $0x8;
	v44 =	vld.idx.msk [tilespmem:v47+s13+$0x0], $0xffff;
	v47 =	vor.u32 v40, v39;
	[tilespmem:s25+$0xFFFFFFF0] =	vst v46;
	(pc) =	sbr.rel @p0 .LBB2_9-.Ltmp6, $4  }
0xd2: {  	v39 =	vand.u32 $0x7800, v45;
	v40 =	vshll.u32 v56, $0x7;
	v49 =	vadd.f32 v53, v49;
	v45 =	vld.idx.msk [tilespmem:v50+s13+$0x0], $0xffff  }
0xd3: {  	v53 =	vmul.f32 $5.000000000e-01, v42;
	v40 =	vand.u32 $0x380, v40;
	v50 =	vadd.s32 v16, v39;
	v46 =	vld.idx.msk [tilespmem:v51+s13+$0x0], $0xffff;
	[tilespmem:s25+$0x0] =	vst v41  }
0xd4: {  	v42 =	vadd.s32 v17, v39;
	v50 =	vor.u32 v40, v50;
	v41 =	vld.idx.msk [tilespmem:v48+s13+$0x0], $0xffff;
	v48 =	vmul.f32 $5.000000000e-01, v49  }
0xd5: {  	s26 =	sadd.s32 $0x1, s26;
	v52 =	vadd.s32 v18, v39;
	v51 =	vor.u32 v40, v42;
	s25 =	sadd.s32 $0x80, s25;
	v49 =	vmul.f32 $5.000000000e-01, v54;
	v42 =	vld.idx.msk [tilespmem:v55+s13+$0x0], $0xffff;
	[tilespmem:s24+$0x10] =	vst v53  }
0xd6: {  	_ =	sdelay $0x1  }
0xd7: {  	v52 =	vor.u32 v40, v52;
	v53 =	vadd.s32 v19, v39  }
0xd8: {  	v54 =	vadd.s32 v23, v39;
	v53 =	vor.u32 v40, v53  }
0xd9: {  	v47 =	vld.idx.msk [tilespmem:v47+s13+$0x0], $0xffff;
	v55 =	vadd.s32 v31, v39;
	v54 =	vor.u32 v40, v54  }
0xda: {  	v50 =	vld.idx.msk [tilespmem:v50+s13+$0x0], $0xffff;
	v56 =	vadd.s32 v20, v39;
	v55 =	vor.u32 v40, v55  }
0xdb: {  	v51 =	vld.idx.msk [tilespmem:v51+s13+$0x0], $0xffff;
	v57 =	vadd.s32 v21, v39;
	v56 =	vor.u32 v40, v56  }
0xdc: {  	v58 =	vadd.s32 v22, v39;
	v57 =	vor.u32 v40, v57;
	v52 =	vld.idx.msk [tilespmem:v52+s13+$0x0], $0xffff  }
0xdd: {  	v59 =	vadd.s32 v24, v39;
	v62 =	vadd.s32 v25, v39;
	v58 =	vor.u32 v40, v58;
	v53 =	vld.idx.msk [tilespmem:v53+s13+$0x0], $0xffff  }
0xde: {  	v35 =	vadd.f32 v43, v35;
	v32 =	vadd.f32 v44, v32;
	v44 =	vor.u32 v40, v62;
	v43 =	vld.idx.msk [tilespmem:v54+s13+$0x0], $0xffff  }
0xdf: {  	v63 =	vadd.s32 v26, v39;
	v60 =	vadd.s32 v27, v39;
	v54 =	vor.u32 v40, v59;
	v55 =	vld.idx.msk [tilespmem:v55+s13+$0x0], $0xffff  }
0xe0: {  	v61 =	vadd.s32 v28, v39;
	v33 =	vadd.f32 v45, v33;
	v45 =	vld.idx.msk [tilespmem:v56+s13+$0x0], $0xffff;
	v56 =	vor.u32 v40, v63  }
0xe1: {  	v34 =	vadd.f32 v46, v34;
	v35 =	vmul.f32 $5.000000000e-01, v35;
	v46 =	vld.idx.msk [tilespmem:v57+s13+$0x0], $0xffff;
	v57 =	vor.u32 v40, v60  }
0xe2: {  	[tilespmem:s25+$0x30] =	vst v48;
	v48 =	vld.idx.msk [tilespmem:v58+s13+$0x0], $0xffff;
	v58 =	vor.u32 v40, v61;
	v63 =	vadd.s32 v30, v39  }
0xe3: {  	v62 =	vadd.s32 v29, v39;
	v32 =	vmul.f32 $5.000000000e-01, v32;
	[tilespmem:s25+$0xFFFFFFC0] =	vst v35;
	v39 =	vld.idx.msk [tilespmem:v44+s13+$0x0], $0xffff;
	v35 =	vor.u32 v40, v63  }
0xe4: {  	[tilespmem:s24+$0x20] =	vst v49;
	v37 =	vadd.f32 v41, v37;
	v33 =	vmul.f32 $5.000000000e-01, v33;
	v49 =	vld.idx.msk [tilespmem:v54+s13+$0x0], $0xffff;
	v54 =	vor.u32 v40, v62  }
0xe5: {  	v38 =	vadd.f32 v42, v38;
	[tilespmem:s25+$0xFFFFFFD0] =	vst v32;
	v44 =	vmul.f32 $5.000000000e-01, v34;
	v34 =	vld.idx.msk [tilespmem:v56+s13+$0x0], $0xffff  }
0xe6: {  	[tilespmem:s25+$0xFFFFFFE0] =	vst v33;
	v36 =	vadd.f32 v47, v36;
	v59 =	vmul.f32 $5.000000000e-01, v37;
	v61 =	vld.idx.msk [tilespmem:v57+s13+$0x0], $0xffff  }
0xe7: {  	[tilespmem:s25+$0xFFFFFFF0] =	vst v44;
	v60 =	vadd.f32 v55, v43;
	v62 =	vmul.f32 $5.000000000e-01, v38;
	v63 =	vld.idx.msk [tilespmem:v58+s13+$0x0], $0xffff  }
0xe8: {  	[tilespmem:s25+$0x0] =	vst v59;
	v55 =	vmul.f32 $5.000000000e-01, v36;
	v56 =	vadd.f32 v39, v51;
	v35 =	vld.idx.msk [tilespmem:v35+s13+$0x0], $0xffff  }
0xe9: {  	v44 =	vmul.f32 $5.000000000e-01, v60;
	[tilespmem:s25+$0x10] =	vst v62;
	v47 =	vld.idx.msk [tilespmem:v54+s13+$0x0], $0xffff;
	v54 =	vadd.f32 v49, v50  }
0xea: {  	s31 =	sadd.s32 $0x80, s25;
	[tilespmem:s25+$0x20] =	vst v55;
	v36 =	vmul.f32 $5.000000000e-01, v56;
	v57 =	vadd.f32 v34, v52  }
0xeb: {  	[tilespmem:s31+$0x30] =	vst v44;
	v59 =	vadd.f32 v61, v53;
	v58 =	vmul.f32 $5.000000000e-01, v54  }
0xec: {  	v38 =	vadd.f32 v63, v45;
	[tilespmem:s31+$0xFFFFFFD0] =	vst v36;
	v33 =	vmul.f32 $5.000000000e-01, v57  }
0xed: {  	v35 =	vadd.f32 v35, v48;
	v32 =	vmul.f32 $5.000000000e-01, v59;
	[tilespmem:s31+$0xFFFFFFC0] =	vst v58  }
0xee: {  	p0 =	seq.s32 s21, $0x7;
	v61 =	vmul.f32 $5.000000000e-01, v38;
	[tilespmem:s31+$0xFFFFFFE0] =	vst v33;
	v60 =	vadd.f32 v47, v46  }
.Ltmp7:
0xef: {  	v63 =	vmul.f32 $5.000000000e-01, v35;
	[tilespmem:s31+$0xFFFFFFF0] =	vst v32;
	(pc) =	sbr.rel @p0 .LBB2_12-.Ltmp7, $4  }
0xf0: {  	[tilespmem:s31+$0x0] =	vst v61;
	v62 =	vmul.f32 $5.000000000e-01, v60  }
0xf1: {  	[tilespmem:s31+$0x20] =	vst v63  }
0xf2: {  	s23 =	sadd.s32 s10, s23;
	[tilespmem:s31+$0x10] =	vst v62  }
0xf3: {  	[hbm4b:s23+s2] =	stream.linear.scatter [tilespmem:s18], [sflag:$0x4], $0x4000, $0x38;
	[tilespmem:$0x1C000] =	vst v63  }
.Ltmp8:
0xf4: {  	(pc) =	sbr.rel .LBB2_2-.Ltmp8, $3  }
0xf5: {  	_ =	sdelay $0x1  }
0xf6: {  	s22 =	sadd.s32 s22, s8;
	s21 =	sadd.s32 $0x1, s21  }
0xf7: {  	[tilespmem:s13], [sflag:$0x2] =	stream.linear.gather [hbm4b:s22+s2], $0x8000, $0x38;
	[tilespmem:$0x1C000] =	vst v63  }
.LBB2_13:
0xf8: {  	_ =	sfence.sel $0x180000  }
0xf9: {  	[bflag:$0x0] =	sbarrier.arrive $0xFFFF  }
0xfa: {  	p0 =	sne.s32 s1, $0x0;
	_ =	strace $0x90000047  }
0xfb: {  	s0 =	sadd.s32 @!p0 $0x100000, s0;
	[bflag:$0x2] =	sbarrier.arrive $0xFFFF  }
0xfc: {  	[sflag:s0] =	ssyncadd.tile.s32 @!p0 $0x1;
	_ =	shalt  }
.Lfunc_end2:
_tile_overlayer_lowered:
.L_overlay_start_2:
0xfd: {  	(tag) =	ssettag $0x2  }
0xfe: {  	s0 =	rddreg [dreg:$0x0];
	s2 =	stileid.u32  }
0xff: {  	s1 =	rddreg [dreg:$0x1];
	p0 =	sne.s32 s2, $0x0  }
0x100: {  	s3 =	rddreg [dreg:$0x2];
	[bflag:$0x3] =	sbarrier.arrive $0xFFFF;
	s2 =	simm.s32 @!p0 $0x1C05  }
0x101: {  	[timem:s3], [sflag:s2] =	dma.local @!p0 [hbm:s0], s1  }
0x102: {  	s0 =	simm.s32 @!p0 $0x5  }
0x103: {  	_ =	swait.ge @!p0 [sflag:s0], s1  }
0x104: {  	s1 =	ssub.s32 @!p0 $0x0, s1;
	[sflag:s0] =	ssyncset.done @!p0 $0x0  }
0x105: {  	[sflag:s0] =	ssyncadd.s32 @!p0 s1  }
0x106: {  	[bflag:$0x3] =	sbarrier.arrive $0xFFFF  }
0x107: {  	_ =	shalt  }

</sc_bundles>
